<compile_context>
chip_gen: v7x
topology: tpu7x:2x2x1
jax: 0.10.2.dev20260603
libtpu: 0.0.44.dev20260713+nightly
codegen_flags: <defaults>
</compile_context>

<pallas_src>
import jax
import jax.numpy as jnp
from jax import lax
from jax.experimental import pallas as pl
from jax.experimental.pallas import tpu as pltpu
from jax.experimental.pallas import tpu_sc as plsc

N = 10000
E = 320000
D = 128
H = 8
HD = D // H

NC = 2
NS = 16

C = 128
W = NC * NS

NSLICE = 2
ES = E // NSLICE

NP = 10240
RPT = NP // NS
PW = D + 16

EB = 3200
NB = 400


def _proj_body(x_ref, wq_ref, wkv_ref, q_out, kv_out):
    x = x_ref[...]
    q_out[...] = jnp.dot(x, wq_ref[...], preferred_element_type=jnp.float32)
    kv_out[...] = jnp.dot(x, wkv_ref[...], preferred_element_type=jnp.float32)


def _project(emb, wq, wkv):
    grid = (N // NB,)
    return pl.pallas_call(
        _proj_body,
        grid=grid,
        in_specs=[
            pl.BlockSpec((NB, D), lambda i: (i, 0)),
            pl.BlockSpec((D, D), lambda i: (0, 0)),
            pl.BlockSpec((D, 2 * D), lambda i: (0, 0)),
        ],
        out_specs=[
            pl.BlockSpec((NB, D), lambda i: (i, 0)),
            pl.BlockSpec((NB, 2 * D), lambda i: (i, 0)),
        ],
        out_shape=[
            jax.ShapeDtypeStruct((N, D), jnp.float32),
            jax.ShapeDtypeStruct((N, 2 * D), jnp.float32),
        ],
    )(emb, wq, wkv)


def _gather_body(qt, kvt, rows_h, cols_h,
                 qe_out, kve_out,
                 rows_v, cols_v, qbuf, kvbuf, sem_q, sem_kv):
    chunks = ES // C
    gbase = chunks // W
    gextra = chunks - gbase * W

    cid = lax.axis_index("c")
    sid = lax.axis_index("s")
    w = cid * NS + sid
    start = w * gbase + jnp.minimum(w, gextra)
    cnt = gbase + jnp.where(w < gextra, 1, 0)

    def chunk_body(j, carry):
        base = (start + j) * C
        pltpu.sync_copy(rows_h.at[pl.ds(base, C)], rows_v)
        pltpu.sync_copy(cols_h.at[pl.ds(base, C)], cols_v)
        cp_q = pltpu.async_copy(qt.at[rows_v], qbuf, sem_q)
        cp_kv = pltpu.async_copy(kvt.at[cols_v], kvbuf, sem_kv)
        cp_q.wait()
        cp_kv.wait()
        pltpu.sync_copy(qbuf, qe_out.at[pl.ds(base, C)])
        pltpu.sync_copy(kvbuf, kve_out.at[pl.ds(base, C)])
        return carry

    lax.fori_loop(0, cnt, chunk_body, 0)


def _gather_stage(qt, kvt, rows, cols):
    mesh = plsc.VectorSubcoreMesh(core_axis_name="c", subcore_axis_name="s",
                                  num_cores=NC, num_subcores=NS)
    f = pl.kernel(
        _gather_body,
        out_type=[
            jax.ShapeDtypeStruct((ES, D), jnp.float32),
            jax.ShapeDtypeStruct((ES, 2 * D), jnp.float32),
        ],
        mesh=mesh,
        scratch_types=(
            pltpu.VMEM((C,), jnp.int32),
            pltpu.VMEM((C,), jnp.int32),
            pltpu.VMEM((C, D), jnp.float32),
            pltpu.VMEM((C, 2 * D), jnp.float32),
            pltpu.SemaphoreType.DMA,
            pltpu.SemaphoreType.DMA,
        ),
        compiler_params=pltpu.CompilerParams(needs_layout_passes=False,
                                             use_tc_tiling_on_sc=False),
    )
    return f(qt, kvt, rows, cols)


def _edge_math_body(qe_ref, kve_ref, m1_ref, pay_ref):
    qe = qe_ref[...]
    ke = kve_ref[:, :D]
    ve = kve_ref[:, D:]
    m1 = m1_ref[...]
    s = jnp.dot(qe * ke, m1, preferred_element_type=jnp.float32)
    att = jnp.exp(jnp.clip(s, -10.0, 10.0))
    attb = jnp.dot(att, m1.T, preferred_element_type=jnp.float32)
    pay_ref[:, :D] = attb * ve
    pay_ref[:, D:D + H] = att
    pay_ref[:, D + H:] = jnp.zeros((EB, PW - D - H), jnp.float32)


def _edge_math(qe, kve, m1):
    grid = (ES // EB,)
    return pl.pallas_call(
        _edge_math_body,
        grid=grid,
        in_specs=[
            pl.BlockSpec((EB, D), lambda i: (i, 0)),
            pl.BlockSpec((EB, 2 * D), lambda i: (i, 0)),
            pl.BlockSpec((D, H), lambda i: (0, 0)),
        ],
        out_specs=pl.BlockSpec((EB, PW), lambda i: (i, 0)),
        out_shape=jax.ShapeDtypeStruct((ES, PW), jnp.float32),
    )(qe, kve, m1)


def _scatter_body(pay, rows_h, zacc,
                  acc_out,
                  rows_v, pbuf, acc_sh, sem_p):
    chunks = ES // C
    cpc = chunks // NC
    sbase = cpc // NS
    sextra = cpc - sbase * NS

    cid = lax.axis_index("c")
    sid = lax.axis_index("s")

    pltpu.sync_copy(zacc.at[pl.ds(sid * RPT, RPT)],
                    acc_sh.at[pl.ds(sid * RPT, RPT)])
    plsc.subcore_barrier()

    start = cid * cpc + sid * sbase + jnp.minimum(sid, sextra)
    cnt = sbase + jnp.where(sid < sextra, 1, 0)

    def chunk_body(j, carry):
        base = (start + j) * C
        pltpu.sync_copy(rows_h.at[pl.ds(base, C)], rows_v)
        cp = pltpu.async_copy(pay.at[pl.ds(base, C)], pbuf, sem_p)
        cp.wait()
        pltpu.sync_copy(pbuf, acc_sh.at[rows_v], add=True)
        return carry

    lax.fori_loop(0, cnt, chunk_body, 0)

    plsc.subcore_barrier()
    pltpu.sync_copy(acc_sh.at[pl.ds(sid * RPT, RPT)],
                    acc_out.at[cid, pl.ds(sid * RPT, RPT)])


def _scatter_stage(pay, rows, zacc):
    mesh = plsc.VectorSubcoreMesh(core_axis_name="c", subcore_axis_name="s",
                                  num_cores=NC, num_subcores=NS)
    f = pl.kernel(
        _scatter_body,
        out_type=jax.ShapeDtypeStruct((NC, NP, PW), jnp.float32),
        mesh=mesh,
        scratch_types=(
            pltpu.VMEM((C,), jnp.int32),
            pltpu.VMEM((C, PW), jnp.float32),
            pltpu.VMEM_SHARED((NP, PW), jnp.float32),
            pltpu.SemaphoreType.DMA,
        ),
        compiler_params=pltpu.CompilerParams(needs_layout_passes=False,
                                             use_tc_tiling_on_sc=False),
    )
    return f(pay, rows, zacc)


def _final_body(acc_ref, m2_ref, out_ref):
    acc = acc_ref[0]
    for p in range(1, NSLICE * NC):
        acc = acc + acc_ref[p]
    den = jnp.dot(acc[:, D:D + H], m2_ref[...],
                  preferred_element_type=jnp.float32)
    out_ref[...] = acc[:, :D] / (den + 1e-8)


def _finalize(acc_p, m2):
    grid = (N // NB,)
    return pl.pallas_call(
        _final_body,
        grid=grid,
        in_specs=[
            pl.BlockSpec((NSLICE * NC, NB, PW), lambda i: (0, i, 0)),
            pl.BlockSpec((H, D), lambda i: (0, 0)),
        ],
        out_specs=pl.BlockSpec((NB, D), lambda i: (i, 0)),
        out_shape=jax.ShapeDtypeStruct((N, D), jnp.float32),
    )(acc_p, m2)


@jax.jit
def kernel(all_embeddings, edge_index, q, k, v):
    wkv = jnp.concatenate([k, v], axis=1)
    qt, kvt = _project(all_embeddings, q, wkv)
    rows = edge_index[0]
    cols = edge_index[1]
    m1 = jnp.repeat(jnp.eye(H, dtype=jnp.float32), HD, axis=0)
    zacc = jnp.zeros((NP, PW), jnp.float32)

    accs = []
    for s in range(NSLICE):
        r_s = lax.slice(rows, (s * ES,), ((s + 1) * ES,))
        c_s = lax.slice(cols, (s * ES,), ((s + 1) * ES,))
        qe, kve = _gather_stage(qt, kvt, r_s, c_s)
        pay = _edge_math(qe, kve, m1)
        accs.append(_scatter_stage(pay, r_s, zacc))

    acc_p = jnp.concatenate(accs, axis=0)
    m2 = jnp.repeat(jnp.eye(H, dtype=jnp.float32), HD, axis=1)
    return _finalize(acc_p, m2)

# --- scband reference (transcript-rebuilt; emitter-appended) ---
"""Pipeline reference for scband-gtlayer-88450556494512 (READ-ONLY COPY).

The authoritative reference and input builder live on the scoring server;
editing this copy changes nothing except your own understanding.
"""

import jax, jax.numpy as jnp
import numpy as np

N_NODES = 10000
N_EDGES = 320000
D = 128
H = 8

def _xavier_uniform(key, shape):
    fan_in, fan_out = shape[0], shape[1]
    limit = float(np.sqrt(6.0 / (fan_in + fan_out)))
    return jax.random.uniform(key, shape, minval=-limit, maxval=limit, dtype=jnp.float32)

def setup_inputs(seed: int = 0) -> dict:
    key = jax.random.key(seed)
    k1, k2, k3, k4, k5 = jax.random.split(key, 5)
    all_embeddings = jax.random.normal(k1, (N_NODES, D), dtype=jnp.float32)
    edge_index = jax.random.randint(k2, (2, N_EDGES), 0, N_NODES, dtype=jnp.int32)
    q = _xavier_uniform(k3, (D, D))
    k = _xavier_uniform(k4, (D, D))
    v = _xavier_uniform(k5, (D, D))
    return {"all_embeddings": all_embeddings, "edge_index": edge_index, "q": q, "k": k, "v": v}

def reference(all_embeddings, edge_index, q, k, v):
    head_dim = D // H
    rows = edge_index[0]
    cols = edge_index[1]
    row_embeddings = all_embeddings[rows]
    col_embeddings = all_embeddings[cols]
    q_embeddings = (row_embeddings @ q).reshape(-1, H, head_dim)
    k_embeddings = (col_embeddings @ k).reshape(-1, H, head_dim)
    v_embeddings = (col_embeddings @ v).reshape(-1, H, head_dim)
    att = jnp.einsum('ehd,ehd->eh', q_embeddings, k_embeddings)
    att = jnp.clip(att, -10.0, 10.0)
    exp_att = jnp.exp(att)
    tem = jnp.zeros((all_embeddings.shape[0], H), dtype=exp_att.dtype)
    att_norm = tem.at[rows].add(exp_att)[rows]
    att_w = exp_att / (att_norm + 1e-08)
    out_embeddings = jnp.einsum('eh,ehd->ehd', att_w, v_embeddings).reshape(-1, D)
    tem2 = jnp.zeros((all_embeddings.shape[0], D), dtype=out_embeddings.dtype)
    out_embeddings = tem2.at[rows].add(out_embeddings)
    return out_embeddings

if __name__ == "__main__":
    import jax
    _d = setup_inputs()
    print(jax.jit(kernel)(*tuple(_d.values())))

</pallas_src>

<mosaic_0001>
#map = affine_map<(d0, d1) -> (0, 0)>
#map1 = affine_map<(d0, d1) -> (0)>
#map2 = affine_map<(d0, d1) -> (0, 0, 0)>
module attributes {stable_mosaic.version = 14 : i64} {
  func.func @_scatter_body(%arg0: i32, %arg1: i32, %arg2: memref<160000x144xf32, #tpu.memory_space<hbm>>, %arg3: memref<160000xi32, #tpu.memory_space<hbm>>, %arg4: memref<10240x144xf32, #tpu.memory_space<hbm>>, %arg5: memref<2x10240x144xf32, #tpu.memory_space<hbm>>, %arg6: memref<128xi32, #tpu.memory_space<vmem>>, %arg7: memref<128x144xf32, #tpu.memory_space<vmem>>, %arg8: memref<10240x144xf32, #tpu.memory_space<vmem_shared>>, %arg9: memref<!tpu.dma_semaphore, #tpu.memory_space<semaphore_mem>>) attributes {dimension_semantics = [#tpu.dimension_semantics<core_parallel>, #tpu.dimension_semantics<subcore_parallel>], iteration_bounds = array<i64: 2, 16>, scalar_prefetch = 0 : i64, scratch_operands = 4 : i64, tpu.core_type = #tpu.core_type<sc_vector_subcore>, window_params = [{transform_indices = #map}, {transform_indices = #map1}, {transform_indices = #map}, {transform_indices = #map2}]} {
    %mul3A = arith.constant 640 : i32
    %mul3A_0 = arith.muli %arg1, %mul3A : i32
    %mul3A_1 = arith.constant 640 : i32
    %mul3A_2 = arith.muli %arg1, %mul3A_1 : i32
    "tpu.region"() ({
      %run_scoped3A = tpu.sem_alloc : memref<!tpu.dma_semaphore, #tpu.memory_space<semaphore_mem>>
      %dma_start3A = arith.constant 0 : i32
      %dma_start3A_27 = tpu.memref_slice %arg8[%mul3A_2, %dma_start3A] : memref<10240x144xf32, #tpu.memory_space<vmem_shared>> -> memref<640x144xf32, #tpu.memory_space<vmem_shared>>
      %dma_start3A_28 = arith.constant 0 : i32
      %dma_start3A_29 = tpu.memref_slice %arg4[%mul3A_0, %dma_start3A_28] : memref<10240x144xf32, #tpu.memory_space<hbm>> -> memref<640x144xf32, #tpu.memory_space<hbm>>
      tpu.enqueue_dma source(%dma_start3A_29 : memref<640x144xf32, #tpu.memory_space<hbm>>) target(%dma_start3A_27 : memref<640x144xf32, #tpu.memory_space<vmem_shared>>) target_semaphore(%run_scoped3A : memref<!tpu.dma_semaphore, #tpu.memory_space<semaphore_mem>>)
      %dma_wait3A = arith.constant 0 : i32
      %dma_wait3A_30 = tpu.memref_slice %arg8[%mul3A_2, %dma_wait3A] : memref<10240x144xf32, #tpu.memory_space<vmem_shared>> -> memref<640x144xf32, #tpu.memory_space<vmem_shared>>
      %dma_wait3A_31 = arith.constant 0 : i32
      %dma_wait3A_32 = tpu.memref_slice %arg4[%mul3A_0, %dma_wait3A_31] : memref<10240x144xf32, #tpu.memory_space<hbm>> -> memref<640x144xf32, #tpu.memory_space<hbm>>
      tpu.wait_dma2 semaphore(%run_scoped3A : memref<!tpu.dma_semaphore, #tpu.memory_space<semaphore_mem>>) src(%dma_wait3A_32 : memref<640x144xf32, #tpu.memory_space<hbm>>) dst(%dma_wait3A_30 : memref<640x144xf32, #tpu.memory_space<vmem_shared>>)
      tpu.yield
    }) : () -> ()
    %barrier3A = arith.constant 0 : index
    tpu.barrier barrier_id(%barrier3A)
    %mul3A_3 = arith.constant 625 : i32
    %mul3A_4 = arith.muli %arg0, %mul3A_3 : i32
    %mul3A_5 = arith.constant 39 : i32
    %mul3A_6 = arith.muli %arg1, %mul3A_5 : i32
    %add3A = arith.addi %mul3A_4, %mul3A_6 : i32
    %min3A = arith.constant 1 : i32
    %min3A_7 = arith.minsi %arg1, %min3A : i32
    %add3A_8 = arith.addi %add3A, %min3A_7 : i32
    %lt3A = arith.constant 1 : i32
    %lt3A_9 = arith.cmpi slt, %arg1, %lt3A : i32
    %jit3A = arith.constant 1 : i32
    %jit3A_10 = arith.constant 0 : i32
    %select_n3A = arith.select %lt3A_9, %jit3A, %jit3A_10 : i32
    %add3A_11 = arith.constant 39 : i32
    %add3A_12 = arith.addi %add3A_11, %select_n3A : i32
    %while3A = arith.constant 0 : i32
    %while3A_13 = arith.constant 0 : i32
    %while3A_14 = arith.subi %add3A_12, %while3A_13 : i32
    %while3A_15 = arith.addi %while3A_13, %while3A_14 : i32
    %while3A_16 = arith.constant 1 : i32
    %while3A_17 = arith.divsi %while3A_14, %while3A_16 : i32
    %while3A_18 = arith.muli %while3A_17, %while3A_16 : i32
    %while3A_19 = arith.addi %while3A_13, %while3A_18 : i32
    %while3A_20 = arith.constant 1 : i32
    scf.for %while3A_27 = %while3A_13 to %while3A_19 step %while3A_20  : i32 {
      %add3A_28 = arith.addi %add3A_8, %while3A_27 : i32
      %mul3A_29 = arith.constant 128 : i32
      %mul3A_30 = arith.muli %add3A_28, %mul3A_29 : i32
      "tpu.region"() ({
        %run_scoped3A = tpu.sem_alloc : memref<!tpu.dma_semaphore, #tpu.memory_space<semaphore_mem>>
        %dma_start3A_37 = tpu.memref_slice %arg3[%mul3A_30] : memref<160000xi32, #tpu.memory_space<hbm>> -> memref<128xi32, #tpu.memory_space<hbm>>
        %dma_start3A_38 = tpu.memref_slice %arg3[%mul3A_30] : memref<160000xi32, #tpu.memory_space<hbm>> -> memref<128xi32, #tpu.memory_space<hbm>>
        tpu.enqueue_dma source(%dma_start3A_38 : memref<128xi32, #tpu.memory_space<hbm>>) target(%arg6 : memref<128xi32, #tpu.memory_space<vmem>>) target_semaphore(%run_scoped3A : memref<!tpu.dma_semaphore, #tpu.memory_space<semaphore_mem>>)
        %dma_wait3A_39 = tpu.memref_slice %arg3[%mul3A_30] : memref<160000xi32, #tpu.memory_space<hbm>> -> memref<128xi32, #tpu.memory_space<hbm>>
        %dma_wait3A_40 = tpu.memref_slice %arg3[%mul3A_30] : memref<160000xi32, #tpu.memory_space<hbm>> -> memref<128xi32, #tpu.memory_space<hbm>>
        tpu.wait_dma2 semaphore(%run_scoped3A : memref<!tpu.dma_semaphore, #tpu.memory_space<semaphore_mem>>) src(%dma_wait3A_40 : memref<128xi32, #tpu.memory_space<hbm>>) dst(%arg6 : memref<128xi32, #tpu.memory_space<vmem>>)
        tpu.yield
      }) : () -> ()
      %dma_start3A = arith.constant 0 : i32
      %dma_start3A_31 = tpu.memref_slice %arg2[%mul3A_30, %dma_start3A] : memref<160000x144xf32, #tpu.memory_space<hbm>> -> memref<128x144xf32, #tpu.memory_space<hbm>>
      %dma_start3A_32 = arith.constant 0 : i32
      %dma_start3A_33 = tpu.memref_slice %arg2[%mul3A_30, %dma_start3A_32] : memref<160000x144xf32, #tpu.memory_space<hbm>> -> memref<128x144xf32, #tpu.memory_space<hbm>>
      tpu.enqueue_dma source(%dma_start3A_33 : memref<128x144xf32, #tpu.memory_space<hbm>>) target(%arg7 : memref<128x144xf32, #tpu.memory_space<vmem>>) target_semaphore(%arg9 : memref<!tpu.dma_semaphore, #tpu.memory_space<semaphore_mem>>)
      %dma_wait3A = arith.constant 0 : i32
      %dma_wait3A_34 = tpu.memref_slice %arg2[%mul3A_30, %dma_wait3A] : memref<160000x144xf32, #tpu.memory_space<hbm>> -> memref<128x144xf32, #tpu.memory_space<hbm>>
      %dma_wait3A_35 = arith.constant 0 : i32
      %dma_wait3A_36 = tpu.memref_slice %arg2[%mul3A_30, %dma_wait3A_35] : memref<160000x144xf32, #tpu.memory_space<hbm>> -> memref<128x144xf32, #tpu.memory_space<hbm>>
      tpu.wait_dma2 semaphore(%arg9 : memref<!tpu.dma_semaphore, #tpu.memory_space<semaphore_mem>>) src(%dma_wait3A_36 : memref<128x144xf32, #tpu.memory_space<hbm>>) dst(%arg7 : memref<128x144xf32, #tpu.memory_space<vmem>>)
      "tpu.region"() ({
        %run_scoped3A = tpu.sem_alloc : memref<!tpu.dma_semaphore, #tpu.memory_space<semaphore_mem>>
        %dma_start3A_37 = arith.constant 0 : i32
        %dma_start3A_38 = arith.constant 0 : i32
        %dma_start3A_39 = tpu.memref_slice %arg8[%dma_start3A_37, %dma_start3A_38] : memref<10240x144xf32, #tpu.memory_space<vmem_shared>> -> memref<10240x144xf32, #tpu.memory_space<vmem_shared>>
        tpu.enqueue_indirect_dma source(%arg7 : memref<128x144xf32, #tpu.memory_space<vmem>>) target(%dma_start3A_39 : memref<10240x144xf32, #tpu.memory_space<vmem_shared>>) offsets(%arg6 : memref<128xi32, #tpu.memory_space<vmem>>) semaphore(%run_scoped3A : memref<!tpu.dma_semaphore, #tpu.memory_space<semaphore_mem>>) {add = true}
        %dma_wait3A_40 = arith.constant 0 : i32
        %dma_wait3A_41 = arith.constant 0 : i32
        %dma_wait3A_42 = tpu.memref_slice %arg8[%dma_wait3A_40, %dma_wait3A_41] : memref<10240x144xf32, #tpu.memory_space<vmem_shared>> -> memref<10240x144xf32, #tpu.memory_space<vmem_shared>>
        tpu.wait_indirect_dma semaphore(%run_scoped3A : memref<!tpu.dma_semaphore, #tpu.memory_space<semaphore_mem>>) src(%arg7 : memref<128x144xf32, #tpu.memory_space<vmem>>) dst(%dma_wait3A_42 : memref<10240x144xf32, #tpu.memory_space<vmem_shared>>)
        tpu.yield
      }) : () -> ()
    }
    %while3A_21 = arith.constant 1 : i32
    scf.for %while3A_27 = %while3A_19 to %while3A_15 step %while3A_21  : i32 {
      %add3A_28 = arith.addi %add3A_8, %while3A_27 : i32
      %mul3A_29 = arith.constant 128 : i32
      %mul3A_30 = arith.muli %add3A_28, %mul3A_29 : i32
      "tpu.region"() ({
        %run_scoped3A = tpu.sem_alloc : memref<!tpu.dma_semaphore, #tpu.memory_space<semaphore_mem>>
        %dma_start3A_37 = tpu.memref_slice %arg3[%mul3A_30] : memref<160000xi32, #tpu.memory_space<hbm>> -> memref<128xi32, #tpu.memory_space<hbm>>
        %dma_start3A_38 = tpu.memref_slice %arg3[%mul3A_30] : memref<160000xi32, #tpu.memory_space<hbm>> -> memref<128xi32, #tpu.memory_space<hbm>>
        tpu.enqueue_dma source(%dma_start3A_38 : memref<128xi32, #tpu.memory_space<hbm>>) target(%arg6 : memref<128xi32, #tpu.memory_space<vmem>>) target_semaphore(%run_scoped3A : memref<!tpu.dma_semaphore, #tpu.memory_space<semaphore_mem>>)
        %dma_wait3A_39 = tpu.memref_slice %arg3[%mul3A_30] : memref<160000xi32, #tpu.memory_space<hbm>> -> memref<128xi32, #tpu.memory_space<hbm>>
        %dma_wait3A_40 = tpu.memref_slice %arg3[%mul3A_30] : memref<160000xi32, #tpu.memory_space<hbm>> -> memref<128xi32, #tpu.memory_space<hbm>>
        tpu.wait_dma2 semaphore(%run_scoped3A : memref<!tpu.dma_semaphore, #tpu.memory_space<semaphore_mem>>) src(%dma_wait3A_40 : memref<128xi32, #tpu.memory_space<hbm>>) dst(%arg6 : memref<128xi32, #tpu.memory_space<vmem>>)
        tpu.yield
      }) : () -> ()
      %dma_start3A = arith.constant 0 : i32
      %dma_start3A_31 = tpu.memref_slice %arg2[%mul3A_30, %dma_start3A] : memref<160000x144xf32, #tpu.memory_space<hbm>> -> memref<128x144xf32, #tpu.memory_space<hbm>>
      %dma_start3A_32 = arith.constant 0 : i32
      %dma_start3A_33 = tpu.memref_slice %arg2[%mul3A_30, %dma_start3A_32] : memref<160000x144xf32, #tpu.memory_space<hbm>> -> memref<128x144xf32, #tpu.memory_space<hbm>>
      tpu.enqueue_dma source(%dma_start3A_33 : memref<128x144xf32, #tpu.memory_space<hbm>>) target(%arg7 : memref<128x144xf32, #tpu.memory_space<vmem>>) target_semaphore(%arg9 : memref<!tpu.dma_semaphore, #tpu.memory_space<semaphore_mem>>)
      %dma_wait3A = arith.constant 0 : i32
      %dma_wait3A_34 = tpu.memref_slice %arg2[%mul3A_30, %dma_wait3A] : memref<160000x144xf32, #tpu.memory_space<hbm>> -> memref<128x144xf32, #tpu.memory_space<hbm>>
      %dma_wait3A_35 = arith.constant 0 : i32
      %dma_wait3A_36 = tpu.memref_slice %arg2[%mul3A_30, %dma_wait3A_35] : memref<160000x144xf32, #tpu.memory_space<hbm>> -> memref<128x144xf32, #tpu.memory_space<hbm>>
      tpu.wait_dma2 semaphore(%arg9 : memref<!tpu.dma_semaphore, #tpu.memory_space<semaphore_mem>>) src(%dma_wait3A_36 : memref<128x144xf32, #tpu.memory_space<hbm>>) dst(%arg7 : memref<128x144xf32, #tpu.memory_space<vmem>>)
      "tpu.region"() ({
        %run_scoped3A = tpu.sem_alloc : memref<!tpu.dma_semaphore, #tpu.memory_space<semaphore_mem>>
        %dma_start3A_37 = arith.constant 0 : i32
        %dma_start3A_38 = arith.constant 0 : i32
        %dma_start3A_39 = tpu.memref_slice %arg8[%dma_start3A_37, %dma_start3A_38] : memref<10240x144xf32, #tpu.memory_space<vmem_shared>> -> memref<10240x144xf32, #tpu.memory_space<vmem_shared>>
        tpu.enqueue_indirect_dma source(%arg7 : memref<128x144xf32, #tpu.memory_space<vmem>>) target(%dma_start3A_39 : memref<10240x144xf32, #tpu.memory_space<vmem_shared>>) offsets(%arg6 : memref<128xi32, #tpu.memory_space<vmem>>) semaphore(%run_scoped3A : memref<!tpu.dma_semaphore, #tpu.memory_space<semaphore_mem>>) {add = true}
        %dma_wait3A_40 = arith.constant 0 : i32
        %dma_wait3A_41 = arith.constant 0 : i32
        %dma_wait3A_42 = tpu.memref_slice %arg8[%dma_wait3A_40, %dma_wait3A_41] : memref<10240x144xf32, #tpu.memory_space<vmem_shared>> -> memref<10240x144xf32, #tpu.memory_space<vmem_shared>>
        tpu.wait_indirect_dma semaphore(%run_scoped3A : memref<!tpu.dma_semaphore, #tpu.memory_space<semaphore_mem>>) src(%arg7 : memref<128x144xf32, #tpu.memory_space<vmem>>) dst(%dma_wait3A_42 : memref<10240x144xf32, #tpu.memory_space<vmem_shared>>)
        tpu.yield
      }) : () -> ()
    }
    %barrier3A_22 = arith.constant 0 : index
    tpu.barrier barrier_id(%barrier3A_22)
    %mul3A_23 = arith.constant 640 : i32
    %mul3A_24 = arith.muli %arg1, %mul3A_23 : i32
    %mul3A_25 = arith.constant 640 : i32
    %mul3A_26 = arith.muli %arg1, %mul3A_25 : i32
    "tpu.region"() ({
      %run_scoped3A = tpu.sem_alloc : memref<!tpu.dma_semaphore, #tpu.memory_space<semaphore_mem>>
      %dma_start3A = arith.constant 0 : i32
      %dma_start3A_27 = tpu.memref_slice %arg5[%arg0, %mul3A_26, %dma_start3A] : memref<2x10240x144xf32, #tpu.memory_space<hbm>> -> memref<1x640x144xf32, #tpu.memory_space<hbm>>
      %dma_start3A_28 = tpu.memref_squeeze %dma_start3A_27 : memref<1x640x144xf32, #tpu.memory_space<hbm>> -> memref<640x144xf32, #tpu.memory_space<hbm>>
      %dma_start3A_29 = arith.constant 0 : i32
      %dma_start3A_30 = tpu.memref_slice %arg8[%mul3A_24, %dma_start3A_29] : memref<10240x144xf32, #tpu.memory_space<vmem_shared>> -> memref<640x144xf32, #tpu.memory_space<vmem_shared>>
      tpu.enqueue_dma source(%dma_start3A_30 : memref<640x144xf32, #tpu.memory_space<vmem_shared>>) target(%dma_start3A_28 : memref<640x144xf32, #tpu.memory_space<hbm>>) target_semaphore(%run_scoped3A : memref<!tpu.dma_semaphore, #tpu.memory_space<semaphore_mem>>)
      %dma_wait3A = arith.constant 0 : i32
      %dma_wait3A_31 = tpu.memref_slice %arg5[%arg0, %mul3A_26, %dma_wait3A] : memref<2x10240x144xf32, #tpu.memory_space<hbm>> -> memref<1x640x144xf32, #tpu.memory_space<hbm>>
      %dma_wait3A_32 = tpu.memref_squeeze %dma_wait3A_31 : memref<1x640x144xf32, #tpu.memory_space<hbm>> -> memref<640x144xf32, #tpu.memory_space<hbm>>
      %dma_wait3A_33 = arith.constant 0 : i32
      %dma_wait3A_34 = tpu.memref_slice %arg8[%mul3A_24, %dma_wait3A_33] : memref<10240x144xf32, #tpu.memory_space<vmem_shared>> -> memref<640x144xf32, #tpu.memory_space<vmem_shared>>
      tpu.wait_dma2 semaphore(%run_scoped3A : memref<!tpu.dma_semaphore, #tpu.memory_space<semaphore_mem>>) src(%dma_wait3A_34 : memref<640x144xf32, #tpu.memory_space<vmem_shared>>) dst(%dma_wait3A_32 : memref<640x144xf32, #tpu.memory_space<hbm>>)
      tpu.yield
    }) : () -> ()
    return
  }
}

#map = affine_map<(d0, d1) -> (0, 0)>
#map1 = affine_map<(d0, d1) -> (0)>
module attributes {stable_mosaic.version = 14 : i64} {
  func.func @_gather_body(%arg0: i32, %arg1: i32, %arg2: memref<10000x128xf32, #tpu.memory_space<hbm>>, %arg3: memref<10000x256xf32, #tpu.memory_space<hbm>>, %arg4: memref<160000xi32, #tpu.memory_space<hbm>>, %arg5: memref<160000xi32, #tpu.memory_space<hbm>>, %arg6: memref<160000x128xf32, #tpu.memory_space<hbm>>, %arg7: memref<160000x256xf32, #tpu.memory_space<hbm>>, %arg8: memref<128xi32, #tpu.memory_space<vmem>>, %arg9: memref<128xi32, #tpu.memory_space<vmem>>, %arg10: memref<128x128xf32, #tpu.memory_space<vmem>>, %arg11: memref<128x256xf32, #tpu.memory_space<vmem>>, %arg12: memref<!tpu.dma_semaphore, #tpu.memory_space<semaphore_mem>>, %arg13: memref<!tpu.dma_semaphore, #tpu.memory_space<semaphore_mem>>) attributes {dimension_semantics = [#tpu.dimension_semantics<core_parallel>, #tpu.dimension_semantics<subcore_parallel>], iteration_bounds = array<i64: 2, 16>, scalar_prefetch = 0 : i64, scratch_operands = 6 : i64, tpu.core_type = #tpu.core_type<sc_vector_subcore>, window_params = [{transform_indices = #map}, {transform_indices = #map}, {transform_indices = #map1}, {transform_indices = #map1}, {transform_indices = #map}, {transform_indices = #map}]} {
    %mul3A = arith.constant 16 : i32
    %mul3A_0 = arith.muli %arg0, %mul3A : i32
    %add3A = arith.addi %mul3A_0, %arg1 : i32
    %mul3A_1 = arith.constant 39 : i32
    %mul3A_2 = arith.muli %add3A, %mul3A_1 : i32
    %min3A = arith.constant 2 : i32
    %min3A_3 = arith.minsi %add3A, %min3A : i32
    %add3A_4 = arith.addi %mul3A_2, %min3A_3 : i32
    %lt3A = arith.constant 2 : i32
    %lt3A_5 = arith.cmpi slt, %add3A, %lt3A : i32
    %jit3A = arith.constant 1 : i32
    %jit3A_6 = arith.constant 0 : i32
    %select_n3A = arith.select %lt3A_5, %jit3A, %jit3A_6 : i32
    %add3A_7 = arith.constant 39 : i32
    %add3A_8 = arith.addi %add3A_7, %select_n3A : i32
    %while3A = arith.constant 0 : i32
    %while3A_9 = arith.constant 0 : i32
    %while3A_10 = arith.subi %add3A_8, %while3A_9 : i32
    %while3A_11 = arith.addi %while3A_9, %while3A_10 : i32
    %while3A_12 = arith.constant 1 : i32
    %while3A_13 = arith.divsi %while3A_10, %while3A_12 : i32
    %while3A_14 = arith.muli %while3A_13, %while3A_12 : i32
    %while3A_15 = arith.addi %while3A_9, %while3A_14 : i32
    %while3A_16 = arith.constant 1 : i32
    scf.for %while3A_18 = %while3A_9 to %while3A_15 step %while3A_16  : i32 {
      %add3A_19 = arith.addi %add3A_4, %while3A_18 : i32
      %mul3A_20 = arith.constant 128 : i32
      %mul3A_21 = arith.muli %add3A_19, %mul3A_20 : i32
      "tpu.region"() ({
        %run_scoped3A = tpu.sem_alloc : memref<!tpu.dma_semaphore, #tpu.memory_space<semaphore_mem>>
        %dma_start3A_32 = tpu.memref_slice %arg4[%mul3A_21] : memref<160000xi32, #tpu.memory_space<hbm>> -> memref<128xi32, #tpu.memory_space<hbm>>
        %dma_start3A_33 = tpu.memref_slice %arg4[%mul3A_21] : memref<160000xi32, #tpu.memory_space<hbm>> -> memref<128xi32, #tpu.memory_space<hbm>>
        tpu.enqueue_dma source(%dma_start3A_33 : memref<128xi32, #tpu.memory_space<hbm>>) target(%arg8 : memref<128xi32, #tpu.memory_space<vmem>>) target_semaphore(%run_scoped3A : memref<!tpu.dma_semaphore, #tpu.memory_space<semaphore_mem>>)
        %dma_wait3A_34 = tpu.memref_slice %arg4[%mul3A_21] : memref<160000xi32, #tpu.memory_space<hbm>> -> memref<128xi32, #tpu.memory_space<hbm>>
        %dma_wait3A_35 = tpu.memref_slice %arg4[%mul3A_21] : memref<160000xi32, #tpu.memory_space<hbm>> -> memref<128xi32, #tpu.memory_space<hbm>>
        tpu.wait_dma2 semaphore(%run_scoped3A : memref<!tpu.dma_semaphore, #tpu.memory_space<semaphore_mem>>) src(%dma_wait3A_35 : memref<128xi32, #tpu.memory_space<hbm>>) dst(%arg8 : memref<128xi32, #tpu.memory_space<vmem>>)
        tpu.yield
      }) : () -> ()
      "tpu.region"() ({
        %run_scoped3A = tpu.sem_alloc : memref<!tpu.dma_semaphore, #tpu.memory_space<semaphore_mem>>
        %dma_start3A_32 = tpu.memref_slice %arg5[%mul3A_21] : memref<160000xi32, #tpu.memory_space<hbm>> -> memref<128xi32, #tpu.memory_space<hbm>>
        %dma_start3A_33 = tpu.memref_slice %arg5[%mul3A_21] : memref<160000xi32, #tpu.memory_space<hbm>> -> memref<128xi32, #tpu.memory_space<hbm>>
        tpu.enqueue_dma source(%dma_start3A_33 : memref<128xi32, #tpu.memory_space<hbm>>) target(%arg9 : memref<128xi32, #tpu.memory_space<vmem>>) target_semaphore(%run_scoped3A : memref<!tpu.dma_semaphore, #tpu.memory_space<semaphore_mem>>)
        %dma_wait3A_34 = tpu.memref_slice %arg5[%mul3A_21] : memref<160000xi32, #tpu.memory_space<hbm>> -> memref<128xi32, #tpu.memory_space<hbm>>
        %dma_wait3A_35 = tpu.memref_slice %arg5[%mul3A_21] : memref<160000xi32, #tpu.memory_space<hbm>> -> memref<128xi32, #tpu.memory_space<hbm>>
        tpu.wait_dma2 semaphore(%run_scoped3A : memref<!tpu.dma_semaphore, #tpu.memory_space<semaphore_mem>>) src(%dma_wait3A_35 : memref<128xi32, #tpu.memory_space<hbm>>) dst(%arg9 : memref<128xi32, #tpu.memory_space<vmem>>)
        tpu.yield
      }) : () -> ()
      %dma_start3A = arith.constant 0 : i32
      %dma_start3A_22 = arith.constant 0 : i32
      %dma_start3A_23 = tpu.memref_slice %arg2[%dma_start3A, %dma_start3A_22] : memref<10000x128xf32, #tpu.memory_space<hbm>> -> memref<10000x128xf32, #tpu.memory_space<hbm>>
      tpu.enqueue_indirect_dma source(%dma_start3A_23 : memref<10000x128xf32, #tpu.memory_space<hbm>>) target(%arg10 : memref<128x128xf32, #tpu.memory_space<vmem>>) offsets(%arg8 : memref<128xi32, #tpu.memory_space<vmem>>) semaphore(%arg12 : memref<!tpu.dma_semaphore, #tpu.memory_space<semaphore_mem>>)
      %dma_start3A_24 = arith.constant 0 : i32
      %dma_start3A_25 = arith.constant 0 : i32
      %dma_start3A_26 = tpu.memref_slice %arg3[%dma_start3A_24, %dma_start3A_25] : memref<10000x256xf32, #tpu.memory_space<hbm>> -> memref<10000x256xf32, #tpu.memory_space<hbm>>
      tpu.enqueue_indirect_dma source(%dma_start3A_26 : memref<10000x256xf32, #tpu.memory_space<hbm>>) target(%arg11 : memref<128x256xf32, #tpu.memory_space<vmem>>) offsets(%arg9 : memref<128xi32, #tpu.memory_space<vmem>>) semaphore(%arg13 : memref<!tpu.dma_semaphore, #tpu.memory_space<semaphore_mem>>)
      %dma_wait3A = arith.constant 0 : i32
      %dma_wait3A_27 = arith.constant 0 : i32
      %dma_wait3A_28 = tpu.memref_slice %arg2[%dma_wait3A, %dma_wait3A_27] : memref<10000x128xf32, #tpu.memory_space<hbm>> -> memref<10000x128xf32, #tpu.memory_space<hbm>>
      tpu.wait_indirect_dma semaphore(%arg12 : memref<!tpu.dma_semaphore, #tpu.memory_space<semaphore_mem>>) src(%dma_wait3A_28 : memref<10000x128xf32, #tpu.memory_space<hbm>>) dst(%arg10 : memref<128x128xf32, #tpu.memory_space<vmem>>)
      %dma_wait3A_29 = arith.constant 0 : i32
      %dma_wait3A_30 = arith.constant 0 : i32
      %dma_wait3A_31 = tpu.memref_slice %arg3[%dma_wait3A_29, %dma_wait3A_30] : memref<10000x256xf32, #tpu.memory_space<hbm>> -> memref<10000x256xf32, #tpu.memory_space<hbm>>
      tpu.wait_indirect_dma semaphore(%arg13 : memref<!tpu.dma_semaphore, #tpu.memory_space<semaphore_mem>>) src(%dma_wait3A_31 : memref<10000x256xf32, #tpu.memory_space<hbm>>) dst(%arg11 : memref<128x256xf32, #tpu.memory_space<vmem>>)
      "tpu.region"() ({
        %run_scoped3A = tpu.sem_alloc : memref<!tpu.dma_semaphore, #tpu.memory_space<semaphore_mem>>
        %dma_start3A_32 = arith.constant 0 : i32
        %dma_start3A_33 = tpu.memref_slice %arg6[%mul3A_21, %dma_start3A_32] : memref<160000x128xf32, #tpu.memory_space<hbm>> -> memref<128x128xf32, #tpu.memory_space<hbm>>
        %dma_start3A_34 = arith.constant 0 : i32
        %dma_start3A_35 = tpu.memref_slice %arg6[%mul3A_21, %dma_start3A_34] : memref<160000x128xf32, #tpu.memory_space<hbm>> -> memref<128x128xf32, #tpu.memory_space<hbm>>
        tpu.enqueue_dma source(%arg10 : memref<128x128xf32, #tpu.memory_space<vmem>>) target(%dma_start3A_35 : memref<128x128xf32, #tpu.memory_space<hbm>>) target_semaphore(%run_scoped3A : memref<!tpu.dma_semaphore, #tpu.memory_space<semaphore_mem>>)
        %dma_wait3A_36 = arith.constant 0 : i32
        %dma_wait3A_37 = tpu.memref_slice %arg6[%mul3A_21, %dma_wait3A_36] : memref<160000x128xf32, #tpu.memory_space<hbm>> -> memref<128x128xf32, #tpu.memory_space<hbm>>
        %dma_wait3A_38 = arith.constant 0 : i32
        %dma_wait3A_39 = tpu.memref_slice %arg6[%mul3A_21, %dma_wait3A_38] : memref<160000x128xf32, #tpu.memory_space<hbm>> -> memref<128x128xf32, #tpu.memory_space<hbm>>
        tpu.wait_dma2 semaphore(%run_scoped3A : memref<!tpu.dma_semaphore, #tpu.memory_space<semaphore_mem>>) src(%arg10 : memref<128x128xf32, #tpu.memory_space<vmem>>) dst(%dma_wait3A_39 : memref<128x128xf32, #tpu.memory_space<hbm>>)
        tpu.yield
      }) : () -> ()
      "tpu.region"() ({
        %run_scoped3A = tpu.sem_alloc : memref<!tpu.dma_semaphore, #tpu.memory_space<semaphore_mem>>
        %dma_start3A_32 = arith.constant 0 : i32
        %dma_start3A_33 = tpu.memref_slice %arg7[%mul3A_21, %dma_start3A_32] : memref<160000x256xf32, #tpu.memory_space<hbm>> -> memref<128x256xf32, #tpu.memory_space<hbm>>
        %dma_start3A_34 = arith.constant 0 : i32
        %dma_start3A_35 = tpu.memref_slice %arg7[%mul3A_21, %dma_start3A_34] : memref<160000x256xf32, #tpu.memory_space<hbm>> -> memref<128x256xf32, #tpu.memory_space<hbm>>
        tpu.enqueue_dma source(%arg11 : memref<128x256xf32, #tpu.memory_space<vmem>>) target(%dma_start3A_35 : memref<128x256xf32, #tpu.memory_space<hbm>>) target_semaphore(%run_scoped3A : memref<!tpu.dma_semaphore, #tpu.memory_space<semaphore_mem>>)
        %dma_wait3A_36 = arith.constant 0 : i32
        %dma_wait3A_37 = tpu.memref_slice %arg7[%mul3A_21, %dma_wait3A_36] : memref<160000x256xf32, #tpu.memory_space<hbm>> -> memref<128x256xf32, #tpu.memory_space<hbm>>
        %dma_wait3A_38 = arith.constant 0 : i32
        %dma_wait3A_39 = tpu.memref_slice %arg7[%mul3A_21, %dma_wait3A_38] : memref<160000x256xf32, #tpu.memory_space<hbm>> -> memref<128x256xf32, #tpu.memory_space<hbm>>
        tpu.wait_dma2 semaphore(%run_scoped3A : memref<!tpu.dma_semaphore, #tpu.memory_space<semaphore_mem>>) src(%arg11 : memref<128x256xf32, #tpu.memory_space<vmem>>) dst(%dma_wait3A_39 : memref<128x256xf32, #tpu.memory_space<hbm>>)
        tpu.yield
      }) : () -> ()
    }
    %while3A_17 = arith.constant 1 : i32
    scf.for %while3A_18 = %while3A_15 to %while3A_11 step %while3A_17  : i32 {
      %add3A_19 = arith.addi %add3A_4, %while3A_18 : i32
      %mul3A_20 = arith.constant 128 : i32
      %mul3A_21 = arith.muli %add3A_19, %mul3A_20 : i32
      "tpu.region"() ({
        %run_scoped3A = tpu.sem_alloc : memref<!tpu.dma_semaphore, #tpu.memory_space<semaphore_mem>>
        %dma_start3A_32 = tpu.memref_slice %arg4[%mul3A_21] : memref<160000xi32, #tpu.memory_space<hbm>> -> memref<128xi32, #tpu.memory_space<hbm>>
        %dma_start3A_33 = tpu.memref_slice %arg4[%mul3A_21] : memref<160000xi32, #tpu.memory_space<hbm>> -> memref<128xi32, #tpu.memory_space<hbm>>
        tpu.enqueue_dma source(%dma_start3A_33 : memref<128xi32, #tpu.memory_space<hbm>>) target(%arg8 : memref<128xi32, #tpu.memory_space<vmem>>) target_semaphore(%run_scoped3A : memref<!tpu.dma_semaphore, #tpu.memory_space<semaphore_mem>>)
        %dma_wait3A_34 = tpu.memref_slice %arg4[%mul3A_21] : memref<160000xi32, #tpu.memory_space<hbm>> -> memref<128xi32, #tpu.memory_space<hbm>>
        %dma_wait3A_35 = tpu.memref_slice %arg4[%mul3A_21] : memref<160000xi32, #tpu.memory_space<hbm>> -> memref<128xi32, #tpu.memory_space<hbm>>
        tpu.wait_dma2 semaphore(%run_scoped3A : memref<!tpu.dma_semaphore, #tpu.memory_space<semaphore_mem>>) src(%dma_wait3A_35 : memref<128xi32, #tpu.memory_space<hbm>>) dst(%arg8 : memref<128xi32, #tpu.memory_space<vmem>>)
        tpu.yield
      }) : () -> ()
      "tpu.region"() ({
        %run_scoped3A = tpu.sem_alloc : memref<!tpu.dma_semaphore, #tpu.memory_space<semaphore_mem>>
        %dma_start3A_32 = tpu.memref_slice %arg5[%mul3A_21] : memref<160000xi32, #tpu.memory_space<hbm>> -> memref<128xi32, #tpu.memory_space<hbm>>
        %dma_start3A_33 = tpu.memref_slice %arg5[%mul3A_21] : memref<160000xi32, #tpu.memory_space<hbm>> -> memref<128xi32, #tpu.memory_space<hbm>>
        tpu.enqueue_dma source(%dma_start3A_33 : memref<128xi32, #tpu.memory_space<hbm>>) target(%arg9 : memref<128xi32, #tpu.memory_space<vmem>>) target_semaphore(%run_scoped3A : memref<!tpu.dma_semaphore, #tpu.memory_space<semaphore_mem>>)
        %dma_wait3A_34 = tpu.memref_slice %arg5[%mul3A_21] : memref<160000xi32, #tpu.memory_space<hbm>> -> memref<128xi32, #tpu.memory_space<hbm>>
        %dma_wait3A_35 = tpu.memref_slice %arg5[%mul3A_21] : memref<160000xi32, #tpu.memory_space<hbm>> -> memref<128xi32, #tpu.memory_space<hbm>>
        tpu.wait_dma2 semaphore(%run_scoped3A : memref<!tpu.dma_semaphore, #tpu.memory_space<semaphore_mem>>) src(%dma_wait3A_35 : memref<128xi32, #tpu.memory_space<hbm>>) dst(%arg9 : memref<128xi32, #tpu.memory_space<vmem>>)
        tpu.yield
      }) : () -> ()
      %dma_start3A = arith.constant 0 : i32
      %dma_start3A_22 = arith.constant 0 : i32
      %dma_start3A_23 = tpu.memref_slice %arg2[%dma_start3A, %dma_start3A_22] : memref<10000x128xf32, #tpu.memory_space<hbm>> -> memref<10000x128xf32, #tpu.memory_space<hbm>>
      tpu.enqueue_indirect_dma source(%dma_start3A_23 : memref<10000x128xf32, #tpu.memory_space<hbm>>) target(%arg10 : memref<128x128xf32, #tpu.memory_space<vmem>>) offsets(%arg8 : memref<128xi32, #tpu.memory_space<vmem>>) semaphore(%arg12 : memref<!tpu.dma_semaphore, #tpu.memory_space<semaphore_mem>>)
      %dma_start3A_24 = arith.constant 0 : i32
      %dma_start3A_25 = arith.constant 0 : i32
      %dma_start3A_26 = tpu.memref_slice %arg3[%dma_start3A_24, %dma_start3A_25] : memref<10000x256xf32, #tpu.memory_space<hbm>> -> memref<10000x256xf32, #tpu.memory_space<hbm>>
      tpu.enqueue_indirect_dma source(%dma_start3A_26 : memref<10000x256xf32, #tpu.memory_space<hbm>>) target(%arg11 : memref<128x256xf32, #tpu.memory_space<vmem>>) offsets(%arg9 : memref<128xi32, #tpu.memory_space<vmem>>) semaphore(%arg13 : memref<!tpu.dma_semaphore, #tpu.memory_space<semaphore_mem>>)
      %dma_wait3A = arith.constant 0 : i32
      %dma_wait3A_27 = arith.constant 0 : i32
      %dma_wait3A_28 = tpu.memref_slice %arg2[%dma_wait3A, %dma_wait3A_27] : memref<10000x128xf32, #tpu.memory_space<hbm>> -> memref<10000x128xf32, #tpu.memory_space<hbm>>
      tpu.wait_indirect_dma semaphore(%arg12 : memref<!tpu.dma_semaphore, #tpu.memory_space<semaphore_mem>>) src(%dma_wait3A_28 : memref<10000x128xf32, #tpu.memory_space<hbm>>) dst(%arg10 : memref<128x128xf32, #tpu.memory_space<vmem>>)
      %dma_wait3A_29 = arith.constant 0 : i32
      %dma_wait3A_30 = arith.constant 0 : i32
      %dma_wait3A_31 = tpu.memref_slice %arg3[%dma_wait3A_29, %dma_wait3A_30] : memref<10000x256xf32, #tpu.memory_space<hbm>> -> memref<10000x256xf32, #tpu.memory_space<hbm>>
      tpu.wait_indirect_dma semaphore(%arg13 : memref<!tpu.dma_semaphore, #tpu.memory_space<semaphore_mem>>) src(%dma_wait3A_31 : memref<10000x256xf32, #tpu.memory_space<hbm>>) dst(%arg11 : memref<128x256xf32, #tpu.memory_space<vmem>>)
      "tpu.region"() ({
        %run_scoped3A = tpu.sem_alloc : memref<!tpu.dma_semaphore, #tpu.memory_space<semaphore_mem>>
        %dma_start3A_32 = arith.constant 0 : i32
        %dma_start3A_33 = tpu.memref_slice %arg6[%mul3A_21, %dma_start3A_32] : memref<160000x128xf32, #tpu.memory_space<hbm>> -> memref<128x128xf32, #tpu.memory_space<hbm>>
        %dma_start3A_34 = arith.constant 0 : i32
        %dma_start3A_35 = tpu.memref_slice %arg6[%mul3A_21, %dma_start3A_34] : memref<160000x128xf32, #tpu.memory_space<hbm>> -> memref<128x128xf32, #tpu.memory_space<hbm>>
        tpu.enqueue_dma source(%arg10 : memref<128x128xf32, #tpu.memory_space<vmem>>) target(%dma_start3A_35 : memref<128x128xf32, #tpu.memory_space<hbm>>) target_semaphore(%run_scoped3A : memref<!tpu.dma_semaphore, #tpu.memory_space<semaphore_mem>>)
        %dma_wait3A_36 = arith.constant 0 : i32
        %dma_wait3A_37 = tpu.memref_slice %arg6[%mul3A_21, %dma_wait3A_36] : memref<160000x128xf32, #tpu.memory_space<hbm>> -> memref<128x128xf32, #tpu.memory_space<hbm>>
        %dma_wait3A_38 = arith.constant 0 : i32
        %dma_wait3A_39 = tpu.memref_slice %arg6[%mul3A_21, %dma_wait3A_38] : memref<160000x128xf32, #tpu.memory_space<hbm>> -> memref<128x128xf32, #tpu.memory_space<hbm>>
        tpu.wait_dma2 semaphore(%run_scoped3A : memref<!tpu.dma_semaphore, #tpu.memory_space<semaphore_mem>>) src(%arg10 : memref<128x128xf32, #tpu.memory_space<vmem>>) dst(%dma_wait3A_39 : memref<128x128xf32, #tpu.memory_space<hbm>>)
        tpu.yield
      }) : () -> ()
      "tpu.region"() ({
        %run_scoped3A = tpu.sem_alloc : memref<!tpu.dma_semaphore, #tpu.memory_space<semaphore_mem>>
        %dma_start3A_32 = arith.constant 0 : i32
        %dma_start3A_33 = tpu.memref_slice %arg7[%mul3A_21, %dma_start3A_32] : memref<160000x256xf32, #tpu.memory_space<hbm>> -> memref<128x256xf32, #tpu.memory_space<hbm>>
        %dma_start3A_34 = arith.constant 0 : i32
        %dma_start3A_35 = tpu.memref_slice %arg7[%mul3A_21, %dma_start3A_34] : memref<160000x256xf32, #tpu.memory_space<hbm>> -> memref<128x256xf32, #tpu.memory_space<hbm>>
        tpu.enqueue_dma source(%arg11 : memref<128x256xf32, #tpu.memory_space<vmem>>) target(%dma_start3A_35 : memref<128x256xf32, #tpu.memory_space<hbm>>) target_semaphore(%run_scoped3A : memref<!tpu.dma_semaphore, #tpu.memory_space<semaphore_mem>>)
        %dma_wait3A_36 = arith.constant 0 : i32
        %dma_wait3A_37 = tpu.memref_slice %arg7[%mul3A_21, %dma_wait3A_36] : memref<160000x256xf32, #tpu.memory_space<hbm>> -> memref<128x256xf32, #tpu.memory_space<hbm>>
        %dma_wait3A_38 = arith.constant 0 : i32
        %dma_wait3A_39 = tpu.memref_slice %arg7[%mul3A_21, %dma_wait3A_38] : memref<160000x256xf32, #tpu.memory_space<hbm>> -> memref<128x256xf32, #tpu.memory_space<hbm>>
        tpu.wait_dma2 semaphore(%run_scoped3A : memref<!tpu.dma_semaphore, #tpu.memory_space<semaphore_mem>>) src(%arg11 : memref<128x256xf32, #tpu.memory_space<vmem>>) dst(%dma_wait3A_39 : memref<128x256xf32, #tpu.memory_space<hbm>>)
        tpu.yield
      }) : () -> ()
    }
    return
  }
}

#map = affine_map<(d0, d1) -> (0, 0)>
#map1 = affine_map<(d0, d1) -> (0)>
module attributes {stable_mosaic.version = 14 : i64} {
  func.func @_gather_body(%arg0: i32, %arg1: i32, %arg2: memref<10000x128xf32, #tpu.memory_space<hbm>>, %arg3: memref<10000x256xf32, #tpu.memory_space<hbm>>, %arg4: memref<160000xi32, #tpu.memory_space<hbm>>, %arg5: memref<160000xi32, #tpu.memory_space<hbm>>, %arg6: memref<160000x128xf32, #tpu.memory_space<hbm>>, %arg7: memref<160000x256xf32, #tpu.memory_space<hbm>>, %arg8: memref<128xi32, #tpu.memory_space<vmem>>, %arg9: memref<128xi32, #tpu.memory_space<vmem>>, %arg10: memref<128x128xf32, #tpu.memory_space<vmem>>, %arg11: memref<128x256xf32, #tpu.memory_space<vmem>>, %arg12: memref<!tpu.dma_semaphore, #tpu.memory_space<semaphore_mem>>, %arg13: memref<!tpu.dma_semaphore, #tpu.memory_space<semaphore_mem>>) attributes {dimension_semantics = [#tpu.dimension_semantics<core_parallel>, #tpu.dimension_semantics<subcore_parallel>], iteration_bounds = array<i64: 2, 16>, scalar_prefetch = 0 : i64, scratch_operands = 6 : i64, tpu.core_type = #tpu.core_type<sc_vector_subcore>, window_params = [{transform_indices = #map}, {transform_indices = #map}, {transform_indices = #map1}, {transform_indices = #map1}, {transform_indices = #map}, {transform_indices = #map}]} {
    %mul3A = arith.constant 16 : i32
    %mul3A_0 = arith.muli %arg0, %mul3A : i32
    %add3A = arith.addi %mul3A_0, %arg1 : i32
    %mul3A_1 = arith.constant 39 : i32
    %mul3A_2 = arith.muli %add3A, %mul3A_1 : i32
    %min3A = arith.constant 2 : i32
    %min3A_3 = arith.minsi %add3A, %min3A : i32
    %add3A_4 = arith.addi %mul3A_2, %min3A_3 : i32
    %lt3A = arith.constant 2 : i32
    %lt3A_5 = arith.cmpi slt, %add3A, %lt3A : i32
    %jit3A = arith.constant 1 : i32
    %jit3A_6 = arith.constant 0 : i32
    %select_n3A = arith.select %lt3A_5, %jit3A, %jit3A_6 : i32
    %add3A_7 = arith.constant 39 : i32
    %add3A_8 = arith.addi %add3A_7, %select_n3A : i32
    %while3A = arith.constant 0 : i32
    %while3A_9 = arith.constant 0 : i32
    %while3A_10 = arith.subi %add3A_8, %while3A_9 : i32
    %while3A_11 = arith.addi %while3A_9, %while3A_10 : i32
    %while3A_12 = arith.constant 1 : i32
    %while3A_13 = arith.divsi %while3A_10, %while3A_12 : i32
    %while3A_14 = arith.muli %while3A_13, %while3A_12 : i32
    %while3A_15 = arith.addi %while3A_9, %while3A_14 : i32
    %while3A_16 = arith.constant 1 : i32
    scf.for %while3A_18 = %while3A_9 to %while3A_15 step %while3A_16  : i32 {
      %add3A_19 = arith.addi %add3A_4, %while3A_18 : i32
      %mul3A_20 = arith.constant 128 : i32
      %mul3A_21 = arith.muli %add3A_19, %mul3A_20 : i32
      "tpu.region"() ({
        %run_scoped3A = tpu.sem_alloc : memref<!tpu.dma_semaphore, #tpu.memory_space<semaphore_mem>>
        %dma_start3A_32 = tpu.memref_slice %arg4[%mul3A_21] : memref<160000xi32, #tpu.memory_space<hbm>> -> memref<128xi32, #tpu.memory_space<hbm>>
        %dma_start3A_33 = tpu.memref_slice %arg4[%mul3A_21] : memref<160000xi32, #tpu.memory_space<hbm>> -> memref<128xi32, #tpu.memory_space<hbm>>
        tpu.enqueue_dma source(%dma_start3A_33 : memref<128xi32, #tpu.memory_space<hbm>>) target(%arg8 : memref<128xi32, #tpu.memory_space<vmem>>) target_semaphore(%run_scoped3A : memref<!tpu.dma_semaphore, #tpu.memory_space<semaphore_mem>>)
        %dma_wait3A_34 = tpu.memref_slice %arg4[%mul3A_21] : memref<160000xi32, #tpu.memory_space<hbm>> -> memref<128xi32, #tpu.memory_space<hbm>>
        %dma_wait3A_35 = tpu.memref_slice %arg4[%mul3A_21] : memref<160000xi32, #tpu.memory_space<hbm>> -> memref<128xi32, #tpu.memory_space<hbm>>
        tpu.wait_dma2 semaphore(%run_scoped3A : memref<!tpu.dma_semaphore, #tpu.memory_space<semaphore_mem>>) src(%dma_wait3A_35 : memref<128xi32, #tpu.memory_space<hbm>>) dst(%arg8 : memref<128xi32, #tpu.memory_space<vmem>>)
        tpu.yield
      }) : () -> ()
      "tpu.region"() ({
        %run_scoped3A = tpu.sem_alloc : memref<!tpu.dma_semaphore, #tpu.memory_space<semaphore_mem>>
        %dma_start3A_32 = tpu.memref_slice %arg5[%mul3A_21] : memref<160000xi32, #tpu.memory_space<hbm>> -> memref<128xi32, #tpu.memory_space<hbm>>
        %dma_start3A_33 = tpu.memref_slice %arg5[%mul3A_21] : memref<160000xi32, #tpu.memory_space<hbm>> -> memref<128xi32, #tpu.memory_space<hbm>>
        tpu.enqueue_dma source(%dma_start3A_33 : memref<128xi32, #tpu.memory_space<hbm>>) target(%arg9 : memref<128xi32, #tpu.memory_space<vmem>>) target_semaphore(%run_scoped3A : memref<!tpu.dma_semaphore, #tpu.memory_space<semaphore_mem>>)
        %dma_wait3A_34 = tpu.memref_slice %arg5[%mul3A_21] : memref<160000xi32, #tpu.memory_space<hbm>> -> memref<128xi32, #tpu.memory_space<hbm>>
        %dma_wait3A_35 = tpu.memref_slice %arg5[%mul3A_21] : memref<160000xi32, #tpu.memory_space<hbm>> -> memref<128xi32, #tpu.memory_space<hbm>>
        tpu.wait_dma2 semaphore(%run_scoped3A : memref<!tpu.dma_semaphore, #tpu.memory_space<semaphore_mem>>) src(%dma_wait3A_35 : memref<128xi32, #tpu.memory_space<hbm>>) dst(%arg9 : memref<128xi32, #tpu.memory_space<vmem>>)
        tpu.yield
      }) : () -> ()
      %dma_start3A = arith.constant 0 : i32
      %dma_start3A_22 = arith.constant 0 : i32
      %dma_start3A_23 = tpu.memref_slice %arg2[%dma_start3A, %dma_start3A_22] : memref<10000x128xf32, #tpu.memory_space<hbm>> -> memref<10000x128xf32, #tpu.memory_space<hbm>>
      tpu.enqueue_indirect_dma source(%dma_start3A_23 : memref<10000x128xf32, #tpu.memory_space<hbm>>) target(%arg10 : memref<128x128xf32, #tpu.memory_space<vmem>>) offsets(%arg8 : memref<128xi32, #tpu.memory_space<vmem>>) semaphore(%arg12 : memref<!tpu.dma_semaphore, #tpu.memory_space<semaphore_mem>>)
      %dma_start3A_24 = arith.constant 0 : i32
      %dma_start3A_25 = arith.constant 0 : i32
      %dma_start3A_26 = tpu.memref_slice %arg3[%dma_start3A_24, %dma_start3A_25] : memref<10000x256xf32, #tpu.memory_space<hbm>> -> memref<10000x256xf32, #tpu.memory_space<hbm>>
      tpu.enqueue_indirect_dma source(%dma_start3A_26 : memref<10000x256xf32, #tpu.memory_space<hbm>>) target(%arg11 : memref<128x256xf32, #tpu.memory_space<vmem>>) offsets(%arg9 : memref<128xi32, #tpu.memory_space<vmem>>) semaphore(%arg13 : memref<!tpu.dma_semaphore, #tpu.memory_space<semaphore_mem>>)
      %dma_wait3A = arith.constant 0 : i32
      %dma_wait3A_27 = arith.constant 0 : i32
      %dma_wait3A_28 = tpu.memref_slice %arg2[%dma_wait3A, %dma_wait3A_27] : memref<10000x128xf32, #tpu.memory_space<hbm>> -> memref<10000x128xf32, #tpu.memory_space<hbm>>
      tpu.wait_indirect_dma semaphore(%arg12 : memref<!tpu.dma_semaphore, #tpu.memory_space<semaphore_mem>>) src(%dma_wait3A_28 : memref<10000x128xf32, #tpu.memory_space<hbm>>) dst(%arg10 : memref<128x128xf32, #tpu.memory_space<vmem>>)
      %dma_wait3A_29 = arith.constant 0 : i32
      %dma_wait3A_30 = arith.constant 0 : i32
      %dma_wait3A_31 = tpu.memref_slice %arg3[%dma_wait3A_29, %dma_wait3A_30] : memref<10000x256xf32, #tpu.memory_space<hbm>> -> memref<10000x256xf32, #tpu.memory_space<hbm>>
      tpu.wait_indirect_dma semaphore(%arg13 : memref<!tpu.dma_semaphore, #tpu.memory_space<semaphore_mem>>) src(%dma_wait3A_31 : memref<10000x256xf32, #tpu.memory_space<hbm>>) dst(%arg11 : memref<128x256xf32, #tpu.memory_space<vmem>>)
      "tpu.region"() ({
        %run_scoped3A = tpu.sem_alloc : memref<!tpu.dma_semaphore, #tpu.memory_space<semaphore_mem>>
        %dma_start3A_32 = arith.constant 0 : i32
        %dma_start3A_33 = tpu.memref_slice %arg6[%mul3A_21, %dma_start3A_32] : memref<160000x128xf32, #tpu.memory_space<hbm>> -> memref<128x128xf32, #tpu.memory_space<hbm>>
        %dma_start3A_34 = arith.constant 0 : i32
        %dma_start3A_35 = tpu.memref_slice %arg6[%mul3A_21, %dma_start3A_34] : memref<160000x128xf32, #tpu.memory_space<hbm>> -> memref<128x128xf32, #tpu.memory_space<hbm>>
        tpu.enqueue_dma source(%arg10 : memref<128x128xf32, #tpu.memory_space<vmem>>) target(%dma_start3A_35 : memref<128x128xf32, #tpu.memory_space<hbm>>) target_semaphore(%run_scoped3A : memref<!tpu.dma_semaphore, #tpu.memory_space<semaphore_mem>>)
        %dma_wait3A_36 = arith.constant 0 : i32
        %dma_wait3A_37 = tpu.memref_slice %arg6[%mul3A_21, %dma_wait3A_36] : memref<160000x128xf32, #tpu.memory_space<hbm>> -> memref<128x128xf32, #tpu.memory_space<hbm>>
        %dma_wait3A_38 = arith.constant 0 : i32
        %dma_wait3A_39 = tpu.memref_slice %arg6[%mul3A_21, %dma_wait3A_38] : memref<160000x128xf32, #tpu.memory_space<hbm>> -> memref<128x128xf32, #tpu.memory_space<hbm>>
        tpu.wait_dma2 semaphore(%run_scoped3A : memref<!tpu.dma_semaphore, #tpu.memory_space<semaphore_mem>>) src(%arg10 : memref<128x128xf32, #tpu.memory_space<vmem>>) dst(%dma_wait3A_39 : memref<128x128xf32, #tpu.memory_space<hbm>>)
        tpu.yield
      }) : () -> ()
      "tpu.region"() ({
        %run_scoped3A = tpu.sem_alloc : memref<!tpu.dma_semaphore, #tpu.memory_space<semaphore_mem>>
        %dma_start3A_32 = arith.constant 0 : i32
        %dma_start3A_33 = tpu.memref_slice %arg7[%mul3A_21, %dma_start3A_32] : memref<160000x256xf32, #tpu.memory_space<hbm>> -> memref<128x256xf32, #tpu.memory_space<hbm>>
        %dma_start3A_34 = arith.constant 0 : i32
        %dma_start3A_35 = tpu.memref_slice %arg7[%mul3A_21, %dma_start3A_34] : memref<160000x256xf32, #tpu.memory_space<hbm>> -> memref<128x256xf32, #tpu.memory_space<hbm>>
        tpu.enqueue_dma source(%arg11 : memref<128x256xf32, #tpu.memory_space<vmem>>) target(%dma_start3A_35 : memref<128x256xf32, #tpu.memory_space<hbm>>) target_semaphore(%run_scoped3A : memref<!tpu.dma_semaphore, #tpu.memory_space<semaphore_mem>>)
        %dma_wait3A_36 = arith.constant 0 : i32
        %dma_wait3A_37 = tpu.memref_slice %arg7[%mul3A_21, %dma_wait3A_36] : memref<160000x256xf32, #tpu.memory_space<hbm>> -> memref<128x256xf32, #tpu.memory_space<hbm>>
        %dma_wait3A_38 = arith.constant 0 : i32
        %dma_wait3A_39 = tpu.memref_slice %arg7[%mul3A_21, %dma_wait3A_38] : memref<160000x256xf32, #tpu.memory_space<hbm>> -> memref<128x256xf32, #tpu.memory_space<hbm>>
        tpu.wait_dma2 semaphore(%run_scoped3A : memref<!tpu.dma_semaphore, #tpu.memory_space<semaphore_mem>>) src(%arg11 : memref<128x256xf32, #tpu.memory_space<vmem>>) dst(%dma_wait3A_39 : memref<128x256xf32, #tpu.memory_space<hbm>>)
        tpu.yield
      }) : () -> ()
    }
    %while3A_17 = arith.constant 1 : i32
    scf.for %while3A_18 = %while3A_15 to %while3A_11 step %while3A_17  : i32 {
      %add3A_19 = arith.addi %add3A_4, %while3A_18 : i32
      %mul3A_20 = arith.constant 128 : i32
      %mul3A_21 = arith.muli %add3A_19, %mul3A_20 : i32
      "tpu.region"() ({
        %run_scoped3A = tpu.sem_alloc : memref<!tpu.dma_semaphore, #tpu.memory_space<semaphore_mem>>
        %dma_start3A_32 = tpu.memref_slice %arg4[%mul3A_21] : memref<160000xi32, #tpu.memory_space<hbm>> -> memref<128xi32, #tpu.memory_space<hbm>>
        %dma_start3A_33 = tpu.memref_slice %arg4[%mul3A_21] : memref<160000xi32, #tpu.memory_space<hbm>> -> memref<128xi32, #tpu.memory_space<hbm>>
        tpu.enqueue_dma source(%dma_start3A_33 : memref<128xi32, #tpu.memory_space<hbm>>) target(%arg8 : memref<128xi32, #tpu.memory_space<vmem>>) target_semaphore(%run_scoped3A : memref<!tpu.dma_semaphore, #tpu.memory_space<semaphore_mem>>)
        %dma_wait3A_34 = tpu.memref_slice %arg4[%mul3A_21] : memref<160000xi32, #tpu.memory_space<hbm>> -> memref<128xi32, #tpu.memory_space<hbm>>
        %dma_wait3A_35 = tpu.memref_slice %arg4[%mul3A_21] : memref<160000xi32, #tpu.memory_space<hbm>> -> memref<128xi32, #tpu.memory_space<hbm>>
        tpu.wait_dma2 semaphore(%run_scoped3A : memref<!tpu.dma_semaphore, #tpu.memory_space<semaphore_mem>>) src(%dma_wait3A_35 : memref<128xi32, #tpu.memory_space<hbm>>) dst(%arg8 : memref<128xi32, #tpu.memory_space<vmem>>)
        tpu.yield
      }) : () -> ()
      "tpu.region"() ({
        %run_scoped3A = tpu.sem_alloc : memref<!tpu.dma_semaphore, #tpu.memory_space<semaphore_mem>>
        %dma_start3A_32 = tpu.memref_slice %arg5[%mul3A_21] : memref<160000xi32, #tpu.memory_space<hbm>> -> memref<128xi32, #tpu.memory_space<hbm>>
        %dma_start3A_33 = tpu.memref_slice %arg5[%mul3A_21] : memref<160000xi32, #tpu.memory_space<hbm>> -> memref<128xi32, #tpu.memory_space<hbm>>
        tpu.enqueue_dma source(%dma_start3A_33 : memref<128xi32, #tpu.memory_space<hbm>>) target(%arg9 : memref<128xi32, #tpu.memory_space<vmem>>) target_semaphore(%run_scoped3A : memref<!tpu.dma_semaphore, #tpu.memory_space<semaphore_mem>>)
        %dma_wait3A_34 = tpu.memref_slice %arg5[%mul3A_21] : memref<160000xi32, #tpu.memory_space<hbm>> -> memref<128xi32, #tpu.memory_space<hbm>>
        %dma_wait3A_35 = tpu.memref_slice %arg5[%mul3A_21] : memref<160000xi32, #tpu.memory_space<hbm>> -> memref<128xi32, #tpu.memory_space<hbm>>
        tpu.wait_dma2 semaphore(%run_scoped3A : memref<!tpu.dma_semaphore, #tpu.memory_space<semaphore_mem>>) src(%dma_wait3A_35 : memref<128xi32, #tpu.memory_space<hbm>>) dst(%arg9 : memref<128xi32, #tpu.memory_space<vmem>>)
        tpu.yield
      }) : () -> ()
      %dma_start3A = arith.constant 0 : i32
      %dma_start3A_22 = arith.constant 0 : i32
      %dma_start3A_23 = tpu.memref_slice %arg2[%dma_start3A, %dma_start3A_22] : memref<10000x128xf32, #tpu.memory_space<hbm>> -> memref<10000x128xf32, #tpu.memory_space<hbm>>
      tpu.enqueue_indirect_dma source(%dma_start3A_23 : memref<10000x128xf32, #tpu.memory_space<hbm>>) target(%arg10 : memref<128x128xf32, #tpu.memory_space<vmem>>) offsets(%arg8 : memref<128xi32, #tpu.memory_space<vmem>>) semaphore(%arg12 : memref<!tpu.dma_semaphore, #tpu.memory_space<semaphore_mem>>)
      %dma_start3A_24 = arith.constant 0 : i32
      %dma_start3A_25 = arith.constant 0 : i32
      %dma_start3A_26 = tpu.memref_slice %arg3[%dma_start3A_24, %dma_start3A_25] : memref<10000x256xf32, #tpu.memory_space<hbm>> -> memref<10000x256xf32, #tpu.memory_space<hbm>>
      tpu.enqueue_indirect_dma source(%dma_start3A_26 : memref<10000x256xf32, #tpu.memory_space<hbm>>) target(%arg11 : memref<128x256xf32, #tpu.memory_space<vmem>>) offsets(%arg9 : memref<128xi32, #tpu.memory_space<vmem>>) semaphore(%arg13 : memref<!tpu.dma_semaphore, #tpu.memory_space<semaphore_mem>>)
      %dma_wait3A = arith.constant 0 : i32
      %dma_wait3A_27 = arith.constant 0 : i32
      %dma_wait3A_28 = tpu.memref_slice %arg2[%dma_wait3A, %dma_wait3A_27] : memref<10000x128xf32, #tpu.memory_space<hbm>> -> memref<10000x128xf32, #tpu.memory_space<hbm>>
      tpu.wait_indirect_dma semaphore(%arg12 : memref<!tpu.dma_semaphore, #tpu.memory_space<semaphore_mem>>) src(%dma_wait3A_28 : memref<10000x128xf32, #tpu.memory_space<hbm>>) dst(%arg10 : memref<128x128xf32, #tpu.memory_space<vmem>>)
      %dma_wait3A_29 = arith.constant 0 : i32
      %dma_wait3A_30 = arith.constant 0 : i32
      %dma_wait3A_31 = tpu.memref_slice %arg3[%dma_wait3A_29, %dma_wait3A_30] : memref<10000x256xf32, #tpu.memory_space<hbm>> -> memref<10000x256xf32, #tpu.memory_space<hbm>>
      tpu.wait_indirect_dma semaphore(%arg13 : memref<!tpu.dma_semaphore, #tpu.memory_space<semaphore_mem>>) src(%dma_wait3A_31 : memref<10000x256xf32, #tpu.memory_space<hbm>>) dst(%arg11 : memref<128x256xf32, #tpu.memory_space<vmem>>)
      "tpu.region"() ({
        %run_scoped3A = tpu.sem_alloc : memref<!tpu.dma_semaphore, #tpu.memory_space<semaphore_mem>>
        %dma_start3A_32 = arith.constant 0 : i32
        %dma_start3A_33 = tpu.memref_slice %arg6[%mul3A_21, %dma_start3A_32] : memref<160000x128xf32, #tpu.memory_space<hbm>> -> memref<128x128xf32, #tpu.memory_space<hbm>>
        %dma_start3A_34 = arith.constant 0 : i32
        %dma_start3A_35 = tpu.memref_slice %arg6[%mul3A_21, %dma_start3A_34] : memref<160000x128xf32, #tpu.memory_space<hbm>> -> memref<128x128xf32, #tpu.memory_space<hbm>>
        tpu.enqueue_dma source(%arg10 : memref<128x128xf32, #tpu.memory_space<vmem>>) target(%dma_start3A_35 : memref<128x128xf32, #tpu.memory_space<hbm>>) target_semaphore(%run_scoped3A : memref<!tpu.dma_semaphore, #tpu.memory_space<semaphore_mem>>)
        %dma_wait3A_36 = arith.constant 0 : i32
        %dma_wait3A_37 = tpu.memref_slice %arg6[%mul3A_21, %dma_wait3A_36] : memref<160000x128xf32, #tpu.memory_space<hbm>> -> memref<128x128xf32, #tpu.memory_space<hbm>>
        %dma_wait3A_38 = arith.constant 0 : i32
        %dma_wait3A_39 = tpu.memref_slice %arg6[%mul3A_21, %dma_wait3A_38] : memref<160000x128xf32, #tpu.memory_space<hbm>> -> memref<128x128xf32, #tpu.memory_space<hbm>>
        tpu.wait_dma2 semaphore(%run_scoped3A : memref<!tpu.dma_semaphore, #tpu.memory_space<semaphore_mem>>) src(%arg10 : memref<128x128xf32, #tpu.memory_space<vmem>>) dst(%dma_wait3A_39 : memref<128x128xf32, #tpu.memory_space<hbm>>)
        tpu.yield
      }) : () -> ()
      "tpu.region"() ({
        %run_scoped3A = tpu.sem_alloc : memref<!tpu.dma_semaphore, #tpu.memory_space<semaphore_mem>>
        %dma_start3A_32 = arith.constant 0 : i32
        %dma_start3A_33 = tpu.memref_slice %arg7[%mul3A_21, %dma_start3A_32] : memref<160000x256xf32, #tpu.memory_space<hbm>> -> memref<128x256xf32, #tpu.memory_space<hbm>>
        %dma_start3A_34 = arith.constant 0 : i32
        %dma_start3A_35 = tpu.memref_slice %arg7[%mul3A_21, %dma_start3A_34] : memref<160000x256xf32, #tpu.memory_space<hbm>> -> memref<128x256xf32, #tpu.memory_space<hbm>>
        tpu.enqueue_dma source(%arg11 : memref<128x256xf32, #tpu.memory_space<vmem>>) target(%dma_start3A_35 : memref<128x256xf32, #tpu.memory_space<hbm>>) target_semaphore(%run_scoped3A : memref<!tpu.dma_semaphore, #tpu.memory_space<semaphore_mem>>)
        %dma_wait3A_36 = arith.constant 0 : i32
        %dma_wait3A_37 = tpu.memref_slice %arg7[%mul3A_21, %dma_wait3A_36] : memref<160000x256xf32, #tpu.memory_space<hbm>> -> memref<128x256xf32, #tpu.memory_space<hbm>>
        %dma_wait3A_38 = arith.constant 0 : i32
        %dma_wait3A_39 = tpu.memref_slice %arg7[%mul3A_21, %dma_wait3A_38] : memref<160000x256xf32, #tpu.memory_space<hbm>> -> memref<128x256xf32, #tpu.memory_space<hbm>>
        tpu.wait_dma2 semaphore(%run_scoped3A : memref<!tpu.dma_semaphore, #tpu.memory_space<semaphore_mem>>) src(%arg11 : memref<128x256xf32, #tpu.memory_space<vmem>>) dst(%dma_wait3A_39 : memref<128x256xf32, #tpu.memory_space<hbm>>)
        tpu.yield
      }) : () -> ()
    }
    return
  }
}

#map = affine_map<(d0, d1) -> (0, 0)>
#map1 = affine_map<(d0, d1) -> (0)>
#map2 = affine_map<(d0, d1) -> (0, 0, 0)>
module attributes {stable_mosaic.version = 14 : i64} {
  func.func @_scatter_body(%arg0: i32, %arg1: i32, %arg2: memref<160000x144xf32, #tpu.memory_space<hbm>>, %arg3: memref<160000xi32, #tpu.memory_space<hbm>>, %arg4: memref<10240x144xf32, #tpu.memory_space<hbm>>, %arg5: memref<2x10240x144xf32, #tpu.memory_space<hbm>>, %arg6: memref<128xi32, #tpu.memory_space<vmem>>, %arg7: memref<128x144xf32, #tpu.memory_space<vmem>>, %arg8: memref<10240x144xf32, #tpu.memory_space<vmem_shared>>, %arg9: memref<!tpu.dma_semaphore, #tpu.memory_space<semaphore_mem>>) attributes {dimension_semantics = [#tpu.dimension_semantics<core_parallel>, #tpu.dimension_semantics<subcore_parallel>], iteration_bounds = array<i64: 2, 16>, scalar_prefetch = 0 : i64, scratch_operands = 4 : i64, tpu.core_type = #tpu.core_type<sc_vector_subcore>, window_params = [{transform_indices = #map}, {transform_indices = #map1}, {transform_indices = #map}, {transform_indices = #map2}]} {
    %mul3A = arith.constant 640 : i32
    %mul3A_0 = arith.muli %arg1, %mul3A : i32
    %mul3A_1 = arith.constant 640 : i32
    %mul3A_2 = arith.muli %arg1, %mul3A_1 : i32
    "tpu.region"() ({
      %run_scoped3A = tpu.sem_alloc : memref<!tpu.dma_semaphore, #tpu.memory_space<semaphore_mem>>
      %dma_start3A = arith.constant 0 : i32
      %dma_start3A_27 = tpu.memref_slice %arg8[%mul3A_2, %dma_start3A] : memref<10240x144xf32, #tpu.memory_space<vmem_shared>> -> memref<640x144xf32, #tpu.memory_space<vmem_shared>>
      %dma_start3A_28 = arith.constant 0 : i32
      %dma_start3A_29 = tpu.memref_slice %arg4[%mul3A_0, %dma_start3A_28] : memref<10240x144xf32, #tpu.memory_space<hbm>> -> memref<640x144xf32, #tpu.memory_space<hbm>>
      tpu.enqueue_dma source(%dma_start3A_29 : memref<640x144xf32, #tpu.memory_space<hbm>>) target(%dma_start3A_27 : memref<640x144xf32, #tpu.memory_space<vmem_shared>>) target_semaphore(%run_scoped3A : memref<!tpu.dma_semaphore, #tpu.memory_space<semaphore_mem>>)
      %dma_wait3A = arith.constant 0 : i32
      %dma_wait3A_30 = tpu.memref_slice %arg8[%mul3A_2, %dma_wait3A] : memref<10240x144xf32, #tpu.memory_space<vmem_shared>> -> memref<640x144xf32, #tpu.memory_space<vmem_shared>>
      %dma_wait3A_31 = arith.constant 0 : i32
      %dma_wait3A_32 = tpu.memref_slice %arg4[%mul3A_0, %dma_wait3A_31] : memref<10240x144xf32, #tpu.memory_space<hbm>> -> memref<640x144xf32, #tpu.memory_space<hbm>>
      tpu.wait_dma2 semaphore(%run_scoped3A : memref<!tpu.dma_semaphore, #tpu.memory_space<semaphore_mem>>) src(%dma_wait3A_32 : memref<640x144xf32, #tpu.memory_space<hbm>>) dst(%dma_wait3A_30 : memref<640x144xf32, #tpu.memory_space<vmem_shared>>)
      tpu.yield
    }) : () -> ()
    %barrier3A = arith.constant 0 : index
    tpu.barrier barrier_id(%barrier3A)
    %mul3A_3 = arith.constant 625 : i32
    %mul3A_4 = arith.muli %arg0, %mul3A_3 : i32
    %mul3A_5 = arith.constant 39 : i32
    %mul3A_6 = arith.muli %arg1, %mul3A_5 : i32
    %add3A = arith.addi %mul3A_4, %mul3A_6 : i32
    %min3A = arith.constant 1 : i32
    %min3A_7 = arith.minsi %arg1, %min3A : i32
    %add3A_8 = arith.addi %add3A, %min3A_7 : i32
    %lt3A = arith.constant 1 : i32
    %lt3A_9 = arith.cmpi slt, %arg1, %lt3A : i32
    %jit3A = arith.constant 1 : i32
    %jit3A_10 = arith.constant 0 : i32
    %select_n3A = arith.select %lt3A_9, %jit3A, %jit3A_10 : i32
    %add3A_11 = arith.constant 39 : i32
    %add3A_12 = arith.addi %add3A_11, %select_n3A : i32
    %while3A = arith.constant 0 : i32
    %while3A_13 = arith.constant 0 : i32
    %while3A_14 = arith.subi %add3A_12, %while3A_13 : i32
    %while3A_15 = arith.addi %while3A_13, %while3A_14 : i32
    %while3A_16 = arith.constant 1 : i32
    %while3A_17 = arith.divsi %while3A_14, %while3A_16 : i32
    %while3A_18 = arith.muli %while3A_17, %while3A_16 : i32
    %while3A_19 = arith.addi %while3A_13, %while3A_18 : i32
    %while3A_20 = arith.constant 1 : i32
    scf.for %while3A_27 = %while3A_13 to %while3A_19 step %while3A_20  : i32 {
      %add3A_28 = arith.addi %add3A_8, %while3A_27 : i32
      %mul3A_29 = arith.constant 128 : i32
      %mul3A_30 = arith.muli %add3A_28, %mul3A_29 : i32
      "tpu.region"() ({
        %run_scoped3A = tpu.sem_alloc : memref<!tpu.dma_semaphore, #tpu.memory_space<semaphore_mem>>
        %dma_start3A_37 = tpu.memref_slice %arg3[%mul3A_30] : memref<160000xi32, #tpu.memory_space<hbm>> -> memref<128xi32, #tpu.memory_space<hbm>>
        %dma_start3A_38 = tpu.memref_slice %arg3[%mul3A_30] : memref<160000xi32, #tpu.memory_space<hbm>> -> memref<128xi32, #tpu.memory_space<hbm>>
        tpu.enqueue_dma source(%dma_start3A_38 : memref<128xi32, #tpu.memory_space<hbm>>) target(%arg6 : memref<128xi32, #tpu.memory_space<vmem>>) target_semaphore(%run_scoped3A : memref<!tpu.dma_semaphore, #tpu.memory_space<semaphore_mem>>)
        %dma_wait3A_39 = tpu.memref_slice %arg3[%mul3A_30] : memref<160000xi32, #tpu.memory_space<hbm>> -> memref<128xi32, #tpu.memory_space<hbm>>
        %dma_wait3A_40 = tpu.memref_slice %arg3[%mul3A_30] : memref<160000xi32, #tpu.memory_space<hbm>> -> memref<128xi32, #tpu.memory_space<hbm>>
        tpu.wait_dma2 semaphore(%run_scoped3A : memref<!tpu.dma_semaphore, #tpu.memory_space<semaphore_mem>>) src(%dma_wait3A_40 : memref<128xi32, #tpu.memory_space<hbm>>) dst(%arg6 : memref<128xi32, #tpu.memory_space<vmem>>)
        tpu.yield
      }) : () -> ()
      %dma_start3A = arith.constant 0 : i32
      %dma_start3A_31 = tpu.memref_slice %arg2[%mul3A_30, %dma_start3A] : memref<160000x144xf32, #tpu.memory_space<hbm>> -> memref<128x144xf32, #tpu.memory_space<hbm>>
      %dma_start3A_32 = arith.constant 0 : i32
      %dma_start3A_33 = tpu.memref_slice %arg2[%mul3A_30, %dma_start3A_32] : memref<160000x144xf32, #tpu.memory_space<hbm>> -> memref<128x144xf32, #tpu.memory_space<hbm>>
      tpu.enqueue_dma source(%dma_start3A_33 : memref<128x144xf32, #tpu.memory_space<hbm>>) target(%arg7 : memref<128x144xf32, #tpu.memory_space<vmem>>) target_semaphore(%arg9 : memref<!tpu.dma_semaphore, #tpu.memory_space<semaphore_mem>>)
      %dma_wait3A = arith.constant 0 : i32
      %dma_wait3A_34 = tpu.memref_slice %arg2[%mul3A_30, %dma_wait3A] : memref<160000x144xf32, #tpu.memory_space<hbm>> -> memref<128x144xf32, #tpu.memory_space<hbm>>
      %dma_wait3A_35 = arith.constant 0 : i32
      %dma_wait3A_36 = tpu.memref_slice %arg2[%mul3A_30, %dma_wait3A_35] : memref<160000x144xf32, #tpu.memory_space<hbm>> -> memref<128x144xf32, #tpu.memory_space<hbm>>
      tpu.wait_dma2 semaphore(%arg9 : memref<!tpu.dma_semaphore, #tpu.memory_space<semaphore_mem>>) src(%dma_wait3A_36 : memref<128x144xf32, #tpu.memory_space<hbm>>) dst(%arg7 : memref<128x144xf32, #tpu.memory_space<vmem>>)
      "tpu.region"() ({
        %run_scoped3A = tpu.sem_alloc : memref<!tpu.dma_semaphore, #tpu.memory_space<semaphore_mem>>
        %dma_start3A_37 = arith.constant 0 : i32
        %dma_start3A_38 = arith.constant 0 : i32
        %dma_start3A_39 = tpu.memref_slice %arg8[%dma_start3A_37, %dma_start3A_38] : memref<10240x144xf32, #tpu.memory_space<vmem_shared>> -> memref<10240x144xf32, #tpu.memory_space<vmem_shared>>
        tpu.enqueue_indirect_dma source(%arg7 : memref<128x144xf32, #tpu.memory_space<vmem>>) target(%dma_start3A_39 : memref<10240x144xf32, #tpu.memory_space<vmem_shared>>) offsets(%arg6 : memref<128xi32, #tpu.memory_space<vmem>>) semaphore(%run_scoped3A : memref<!tpu.dma_semaphore, #tpu.memory_space<semaphore_mem>>) {add = true}
        %dma_wait3A_40 = arith.constant 0 : i32
        %dma_wait3A_41 = arith.constant 0 : i32
        %dma_wait3A_42 = tpu.memref_slice %arg8[%dma_wait3A_40, %dma_wait3A_41] : memref<10240x144xf32, #tpu.memory_space<vmem_shared>> -> memref<10240x144xf32, #tpu.memory_space<vmem_shared>>
        tpu.wait_indirect_dma semaphore(%run_scoped3A : memref<!tpu.dma_semaphore, #tpu.memory_space<semaphore_mem>>) src(%arg7 : memref<128x144xf32, #tpu.memory_space<vmem>>) dst(%dma_wait3A_42 : memref<10240x144xf32, #tpu.memory_space<vmem_shared>>)
        tpu.yield
      }) : () -> ()
    }
    %while3A_21 = arith.constant 1 : i32
    scf.for %while3A_27 = %while3A_19 to %while3A_15 step %while3A_21  : i32 {
      %add3A_28 = arith.addi %add3A_8, %while3A_27 : i32
      %mul3A_29 = arith.constant 128 : i32
      %mul3A_30 = arith.muli %add3A_28, %mul3A_29 : i32
      "tpu.region"() ({
        %run_scoped3A = tpu.sem_alloc : memref<!tpu.dma_semaphore, #tpu.memory_space<semaphore_mem>>
        %dma_start3A_37 = tpu.memref_slice %arg3[%mul3A_30] : memref<160000xi32, #tpu.memory_space<hbm>> -> memref<128xi32, #tpu.memory_space<hbm>>
        %dma_start3A_38 = tpu.memref_slice %arg3[%mul3A_30] : memref<160000xi32, #tpu.memory_space<hbm>> -> memref<128xi32, #tpu.memory_space<hbm>>
        tpu.enqueue_dma source(%dma_start3A_38 : memref<128xi32, #tpu.memory_space<hbm>>) target(%arg6 : memref<128xi32, #tpu.memory_space<vmem>>) target_semaphore(%run_scoped3A : memref<!tpu.dma_semaphore, #tpu.memory_space<semaphore_mem>>)
        %dma_wait3A_39 = tpu.memref_slice %arg3[%mul3A_30] : memref<160000xi32, #tpu.memory_space<hbm>> -> memref<128xi32, #tpu.memory_space<hbm>>
        %dma_wait3A_40 = tpu.memref_slice %arg3[%mul3A_30] : memref<160000xi32, #tpu.memory_space<hbm>> -> memref<128xi32, #tpu.memory_space<hbm>>
        tpu.wait_dma2 semaphore(%run_scoped3A : memref<!tpu.dma_semaphore, #tpu.memory_space<semaphore_mem>>) src(%dma_wait3A_40 : memref<128xi32, #tpu.memory_space<hbm>>) dst(%arg6 : memref<128xi32, #tpu.memory_space<vmem>>)
        tpu.yield
      }) : () -> ()
      %dma_start3A = arith.constant 0 : i32
      %dma_start3A_31 = tpu.memref_slice %arg2[%mul3A_30, %dma_start3A] : memref<160000x144xf32, #tpu.memory_space<hbm>> -> memref<128x144xf32, #tpu.memory_space<hbm>>
      %dma_start3A_32 = arith.constant 0 : i32
      %dma_start3A_33 = tpu.memref_slice %arg2[%mul3A_30, %dma_start3A_32] : memref<160000x144xf32, #tpu.memory_space<hbm>> -> memref<128x144xf32, #tpu.memory_space<hbm>>
      tpu.enqueue_dma source(%dma_start3A_33 : memref<128x144xf32, #tpu.memory_space<hbm>>) target(%arg7 : memref<128x144xf32, #tpu.memory_space<vmem>>) target_semaphore(%arg9 : memref<!tpu.dma_semaphore, #tpu.memory_space<semaphore_mem>>)
      %dma_wait3A = arith.constant 0 : i32
      %dma_wait3A_34 = tpu.memref_slice %arg2[%mul3A_30, %dma_wait3A] : memref<160000x144xf32, #tpu.memory_space<hbm>> -> memref<128x144xf32, #tpu.memory_space<hbm>>
      %dma_wait3A_35 = arith.constant 0 : i32
      %dma_wait3A_36 = tpu.memref_slice %arg2[%mul3A_30, %dma_wait3A_35] : memref<160000x144xf32, #tpu.memory_space<hbm>> -> memref<128x144xf32, #tpu.memory_space<hbm>>
      tpu.wait_dma2 semaphore(%arg9 : memref<!tpu.dma_semaphore, #tpu.memory_space<semaphore_mem>>) src(%dma_wait3A_36 : memref<128x144xf32, #tpu.memory_space<hbm>>) dst(%arg7 : memref<128x144xf32, #tpu.memory_space<vmem>>)
      "tpu.region"() ({
        %run_scoped3A = tpu.sem_alloc : memref<!tpu.dma_semaphore, #tpu.memory_space<semaphore_mem>>
        %dma_start3A_37 = arith.constant 0 : i32
        %dma_start3A_38 = arith.constant 0 : i32
        %dma_start3A_39 = tpu.memref_slice %arg8[%dma_start3A_37, %dma_start3A_38] : memref<10240x144xf32, #tpu.memory_space<vmem_shared>> -> memref<10240x144xf32, #tpu.memory_space<vmem_shared>>
        tpu.enqueue_indirect_dma source(%arg7 : memref<128x144xf32, #tpu.memory_space<vmem>>) target(%dma_start3A_39 : memref<10240x144xf32, #tpu.memory_space<vmem_shared>>) offsets(%arg6 : memref<128xi32, #tpu.memory_space<vmem>>) semaphore(%run_scoped3A : memref<!tpu.dma_semaphore, #tpu.memory_space<semaphore_mem>>) {add = true}
        %dma_wait3A_40 = arith.constant 0 : i32
        %dma_wait3A_41 = arith.constant 0 : i32
        %dma_wait3A_42 = tpu.memref_slice %arg8[%dma_wait3A_40, %dma_wait3A_41] : memref<10240x144xf32, #tpu.memory_space<vmem_shared>> -> memref<10240x144xf32, #tpu.memory_space<vmem_shared>>
        tpu.wait_indirect_dma semaphore(%run_scoped3A : memref<!tpu.dma_semaphore, #tpu.memory_space<semaphore_mem>>) src(%arg7 : memref<128x144xf32, #tpu.memory_space<vmem>>) dst(%dma_wait3A_42 : memref<10240x144xf32, #tpu.memory_space<vmem_shared>>)
        tpu.yield
      }) : () -> ()
    }
    %barrier3A_22 = arith.constant 0 : index
    tpu.barrier barrier_id(%barrier3A_22)
    %mul3A_23 = arith.constant 640 : i32
    %mul3A_24 = arith.muli %arg1, %mul3A_23 : i32
    %mul3A_25 = arith.constant 640 : i32
    %mul3A_26 = arith.muli %arg1, %mul3A_25 : i32
    "tpu.region"() ({
      %run_scoped3A = tpu.sem_alloc : memref<!tpu.dma_semaphore, #tpu.memory_space<semaphore_mem>>
      %dma_start3A = arith.constant 0 : i32
      %dma_start3A_27 = tpu.memref_slice %arg5[%arg0, %mul3A_26, %dma_start3A] : memref<2x10240x144xf32, #tpu.memory_space<hbm>> -> memref<1x640x144xf32, #tpu.memory_space<hbm>>
      %dma_start3A_28 = tpu.memref_squeeze %dma_start3A_27 : memref<1x640x144xf32, #tpu.memory_space<hbm>> -> memref<640x144xf32, #tpu.memory_space<hbm>>
      %dma_start3A_29 = arith.constant 0 : i32
      %dma_start3A_30 = tpu.memref_slice %arg8[%mul3A_24, %dma_start3A_29] : memref<10240x144xf32, #tpu.memory_space<vmem_shared>> -> memref<640x144xf32, #tpu.memory_space<vmem_shared>>
      tpu.enqueue_dma source(%dma_start3A_30 : memref<640x144xf32, #tpu.memory_space<vmem_shared>>) target(%dma_start3A_28 : memref<640x144xf32, #tpu.memory_space<hbm>>) target_semaphore(%run_scoped3A : memref<!tpu.dma_semaphore, #tpu.memory_space<semaphore_mem>>)
      %dma_wait3A = arith.constant 0 : i32
      %dma_wait3A_31 = tpu.memref_slice %arg5[%arg0, %mul3A_26, %dma_wait3A] : memref<2x10240x144xf32, #tpu.memory_space<hbm>> -> memref<1x640x144xf32, #tpu.memory_space<hbm>>
      %dma_wait3A_32 = tpu.memref_squeeze %dma_wait3A_31 : memref<1x640x144xf32, #tpu.memory_space<hbm>> -> memref<640x144xf32, #tpu.memory_space<hbm>>
      %dma_wait3A_33 = arith.constant 0 : i32
      %dma_wait3A_34 = tpu.memref_slice %arg8[%mul3A_24, %dma_wait3A_33] : memref<10240x144xf32, #tpu.memory_space<vmem_shared>> -> memref<640x144xf32, #tpu.memory_space<vmem_shared>>
      tpu.wait_dma2 semaphore(%run_scoped3A : memref<!tpu.dma_semaphore, #tpu.memory_space<semaphore_mem>>) src(%dma_wait3A_34 : memref<640x144xf32, #tpu.memory_space<vmem_shared>>) dst(%dma_wait3A_32 : memref<640x144xf32, #tpu.memory_space<hbm>>)
      tpu.yield
    }) : () -> ()
    return
  }
}

module attributes {stable_mosaic.version = 14 : i64} {
  func.func @_proj_body(%arg0: i32, %arg1: memref<400x128xf32, #tpu.memory_space<vmem>>, %arg2: memref<128x128xf32, #tpu.memory_space<vmem>>, %arg3: memref<128x256xf32, #tpu.memory_space<vmem>>, %arg4: memref<400x128xf32, #tpu.memory_space<vmem>>, %arg5: memref<400x256xf32, #tpu.memory_space<vmem>>) attributes {dimension_semantics = [#tpu.dimension_semantics<arbitrary>], iteration_bounds = array<i64: 25>, scalar_prefetch = 0 : i64, scratch_operands = 0 : i64, tpu.core_type = #tpu.core_type<tc>, window_params = [{transform_indices = @transform_0, window_bounds = array<i64: 400, 128>}, {pipeline_mode = #tpu.pipeline_mode<synchronous>, transform_indices = @transform_1, window_bounds = array<i64: 128, 128>}, {pipeline_mode = #tpu.pipeline_mode<synchronous>, transform_indices = @transform_2, window_bounds = array<i64: 128, 256>}, {transform_indices = @transform_3, window_bounds = array<i64: 400, 128>}, {transform_indices = @transform_4, window_bounds = array<i64: 400, 256>}]} {
    %get3A = arith.constant 0 : index
    %get3A_0 = arith.constant 0 : index
    %get3A_1 = vector.load %arg1[%get3A, %get3A_0] : memref<400x128xf32, #tpu.memory_space<vmem>>, vector<400x128xf32>
    %get3A_2 = arith.constant 0 : index
    %get3A_3 = arith.constant 0 : index
    %get3A_4 = vector.load %arg2[%get3A_2, %get3A_3] : memref<128x128xf32, #tpu.memory_space<vmem>>, vector<128x128xf32>
    %dot_general3A = arith.constant dense<0.000000e+00> : vector<400x128xf32>
    %dot_general3A_5 = tpu.matmul %get3A_1, %get3A_4, %dot_general3A {dimension_numbers = #tpu.dot_dimension_numbers<[1], [0], [0], [1], [0, 0, 1, 1], [], []>, transpose_lhs_hint = false} : vector<400x128xf32>, vector<128x128xf32>, vector<400x128xf32> -> vector<400x128xf32>
    %swap3A = arith.constant 0 : index
    %swap3A_6 = arith.constant 0 : index
    %swap3A_7 = vector.load %arg4[%swap3A, %swap3A_6] : memref<400x128xf32, #tpu.memory_space<vmem>>, vector<400x128xf32>
    tpu.vector_store %arg4[%swap3A, %swap3A_6], %dot_general3A_5 {strides = array<i32>} : memref<400x128xf32, #tpu.memory_space<vmem>>, vector<400x128xf32>,
    %get3A_8 = arith.constant 0 : index
    %get3A_9 = arith.constant 0 : index
    %get3A_10 = vector.load %arg3[%get3A_8, %get3A_9] : memref<128x256xf32, #tpu.memory_space<vmem>>, vector<128x256xf32>
    %dot_general3A_11 = arith.constant dense<0.000000e+00> : vector<400x256xf32>
    %dot_general3A_12 = tpu.matmul %get3A_1, %get3A_10, %dot_general3A_11 {dimension_numbers = #tpu.dot_dimension_numbers<[1], [0], [0], [1], [0, 0, 1, 1], [], []>, transpose_lhs_hint = false} : vector<400x128xf32>, vector<128x256xf32>, vector<400x256xf32> -> vector<400x256xf32>
    %swap3A_13 = arith.constant 0 : index
    %swap3A_14 = arith.constant 0 : index
    %swap3A_15 = vector.load %arg5[%swap3A_13, %swap3A_14] : memref<400x256xf32, #tpu.memory_space<vmem>>, vector<400x256xf32>
    tpu.vector_store %arg5[%swap3A_13, %swap3A_14], %dot_general3A_12 {strides = array<i32>} : memref<400x256xf32, #tpu.memory_space<vmem>>, vector<400x256xf32>,
    return
  }
  func.func @transform_0(%arg0: i32) -> (i32, i32) {
    %c0_i32 = arith.constant 0 : i32
    %c0_i32_0 = arith.constant 0 : i32
    return %arg0, %c0_i32 : i32, i32
  }
  func.func @transform_1(%arg0: i32) -> (i32, i32) {
    %c0_i32 = arith.constant 0 : i32
    %c0_i32_0 = arith.constant 0 : i32
    %c0_i32_1 = arith.constant 0 : i32
    return %c0_i32, %c0_i32_0 : i32, i32
  }
  func.func @transform_2(%arg0: i32) -> (i32, i32) {
    %c0_i32 = arith.constant 0 : i32
    %c0_i32_0 = arith.constant 0 : i32
    %c0_i32_1 = arith.constant 0 : i32
    return %c0_i32, %c0_i32_0 : i32, i32
  }
  func.func @transform_3(%arg0: i32) -> (i32, i32) {
    %c0_i32 = arith.constant 0 : i32
    %c0_i32_0 = arith.constant 0 : i32
    return %arg0, %c0_i32 : i32, i32
  }
  func.func @transform_4(%arg0: i32) -> (i32, i32) {
    %c0_i32 = arith.constant 0 : i32
    %c0_i32_0 = arith.constant 0 : i32
    return %arg0, %c0_i32 : i32, i32
  }
}

module attributes {stable_mosaic.version = 14 : i64} {
  func.func @_edge_math_body(%arg0: i32, %arg1: memref<3200x128xf32, #tpu.memory_space<vmem>>, %arg2: memref<3200x256xf32, #tpu.memory_space<vmem>>, %arg3: memref<128x8xf32, #tpu.memory_space<vmem>>, %arg4: memref<3200x144xf32, #tpu.memory_space<vmem>>) attributes {dimension_semantics = [#tpu.dimension_semantics<arbitrary>], iteration_bounds = array<i64: 50>, scalar_prefetch = 0 : i64, scratch_operands = 0 : i64, tpu.core_type = #tpu.core_type<tc>, window_params = [{transform_indices = @transform_0, window_bounds = array<i64: 3200, 128>}, {transform_indices = @transform_1, window_bounds = array<i64: 3200, 256>}, {pipeline_mode = #tpu.pipeline_mode<synchronous>, transform_indices = @transform_2, window_bounds = array<i64: 128, 8>}, {transform_indices = @transform_3, window_bounds = array<i64: 3200, 144>}]} {
    %get3A = arith.constant 0 : index
    %get3A_0 = arith.constant 0 : index
    %get3A_1 = vector.load %arg1[%get3A, %get3A_0] : memref<3200x128xf32, #tpu.memory_space<vmem>>, vector<3200x128xf32>
    %get3A_2 = arith.constant 0 : index
    %get3A_3 = arith.constant 0 : index
    %get3A_4 = vector.load %arg2[%get3A_2, %get3A_3] : memref<3200x256xf32, #tpu.memory_space<vmem>>, vector<3200x128xf32>
    %get3A_5 = arith.constant 0 : index
    %get3A_6 = arith.constant 128 : index
    %get3A_7 = vector.load %arg2[%get3A_5, %get3A_6] : memref<3200x256xf32, #tpu.memory_space<vmem>>, vector<3200x128xf32>
    %get3A_8 = arith.constant 0 : index
    %get3A_9 = arith.constant 0 : index
    %get3A_10 = vector.load %arg3[%get3A_8, %get3A_9] : memref<128x8xf32, #tpu.memory_space<vmem>>, vector<128x8xf32>
    %mul3A = arith.mulf %get3A_1, %get3A_4 : vector<3200x128xf32>
    %dot_general3A = arith.constant dense<0.000000e+00> : vector<3200x8xf32>
    %dot_general3A_11 = tpu.matmul %mul3A, %get3A_10, %dot_general3A {dimension_numbers = #tpu.dot_dimension_numbers<[1], [0], [0], [1], [0, 0, 1, 1], [], []>, transpose_lhs_hint = false} : vector<3200x128xf32>, vector<128x8xf32>, vector<3200x8xf32> -> vector<3200x8xf32>
    %jit3A = arith.constant -1.000000e+01 : f32
    %jit3A_12 = arith.constant 1.000000e+01 : f32
    %max3A = vector.broadcast %jit3A : f32 to vector<3200x8xf32>
    %max3A_13 = arith.maximumf %max3A, %dot_general3A_11 : vector<3200x8xf32>
    %min3A = vector.broadcast %jit3A_12 : f32 to vector<3200x8xf32>
    %min3A_14 = arith.minimumf %min3A, %max3A_13 : vector<3200x8xf32>
    %exp3A = math.exp %min3A_14 : vector<3200x8xf32>
    %transpose3A = tpu.transpose %get3A_10, [1, 0] : vector<128x8xf32> -> vector<8x128xf32>
    %dot_general3A_15 = arith.constant dense<0.000000e+00> : vector<3200x128xf32>
    %dot_general3A_16 = tpu.matmul %exp3A, %transpose3A, %dot_general3A_15 {dimension_numbers = #tpu.dot_dimension_numbers<[1], [0], [0], [1], [0, 0, 1, 1], [], []>, transpose_lhs_hint = false} : vector<3200x8xf32>, vector<8x128xf32>, vector<3200x128xf32> -> vector<3200x128xf32>
    %mul3A_17 = arith.mulf %dot_general3A_16, %get3A_7 : vector<3200x128xf32>
    %swap3A = arith.constant 0 : index
    %swap3A_18 = arith.constant 0 : index
    %swap3A_19 = vector.load %arg4[%swap3A, %swap3A_18] : memref<3200x144xf32, #tpu.memory_space<vmem>>, vector<3200x128xf32>
    tpu.vector_store %arg4[%swap3A, %swap3A_18], %mul3A_17 {strides = array<i32>} : memref<3200x144xf32, #tpu.memory_space<vmem>>, vector<3200x128xf32>,
    %swap3A_20 = arith.constant 0 : index
    %swap3A_21 = arith.constant 128 : index
    %swap3A_22 = vector.load %arg4[%swap3A_20, %swap3A_21] : memref<3200x144xf32, #tpu.memory_space<vmem>>, vector<3200x8xf32>
    tpu.vector_store %arg4[%swap3A_20, %swap3A_21], %exp3A {strides = array<i32>} : memref<3200x144xf32, #tpu.memory_space<vmem>>, vector<3200x8xf32>,
    %broadcast_in_dim3A = arith.constant 0.000000e+00 : f32
    %broadcast_in_dim3A_23 = vector.broadcast %broadcast_in_dim3A : f32 to vector<3200x8xf32>
    %swap3A_24 = arith.constant 0 : index
    %swap3A_25 = arith.constant 136 : index
    %swap3A_26 = vector.load %arg4[%swap3A_24, %swap3A_25] : memref<3200x144xf32, #tpu.memory_space<vmem>>, vector<3200x8xf32>
    tpu.vector_store %arg4[%swap3A_24, %swap3A_25], %broadcast_in_dim3A_23 {strides = array<i32>} : memref<3200x144xf32, #tpu.memory_space<vmem>>, vector<3200x8xf32>,
    return
  }
  func.func @transform_0(%arg0: i32) -> (i32, i32) {
    %c0_i32 = arith.constant 0 : i32
    %c0_i32_0 = arith.constant 0 : i32
    return %arg0, %c0_i32 : i32, i32
  }
  func.func @transform_1(%arg0: i32) -> (i32, i32) {
    %c0_i32 = arith.constant 0 : i32
    %c0_i32_0 = arith.constant 0 : i32
    return %arg0, %c0_i32 : i32, i32
  }
  func.func @transform_2(%arg0: i32) -> (i32, i32) {
    %c0_i32 = arith.constant 0 : i32
    %c0_i32_0 = arith.constant 0 : i32
    %c0_i32_1 = arith.constant 0 : i32
    return %c0_i32, %c0_i32_0 : i32, i32
  }
  func.func @transform_3(%arg0: i32) -> (i32, i32) {
    %c0_i32 = arith.constant 0 : i32
    %c0_i32_0 = arith.constant 0 : i32
    return %arg0, %c0_i32 : i32, i32
  }
}

module attributes {stable_mosaic.version = 14 : i64} {
  func.func @_final_body(%arg0: i32, %arg1: memref<4x400x144xf32, #tpu.memory_space<vmem>>, %arg2: memref<8x128xf32, #tpu.memory_space<vmem>>, %arg3: memref<400x128xf32, #tpu.memory_space<vmem>>) attributes {dimension_semantics = [#tpu.dimension_semantics<arbitrary>], iteration_bounds = array<i64: 25>, scalar_prefetch = 0 : i64, scratch_operands = 0 : i64, tpu.core_type = #tpu.core_type<tc>, window_params = [{transform_indices = @transform_0, window_bounds = array<i64: 4, 400, 144>}, {pipeline_mode = #tpu.pipeline_mode<synchronous>, transform_indices = @transform_1, window_bounds = array<i64: 8, 128>}, {transform_indices = @transform_2, window_bounds = array<i64: 400, 128>}]} {
    %get3A = arith.constant 0 : index
    %get3A_0 = arith.constant 0 : index
    %get3A_1 = arith.constant 0 : index
    %get3A_2 = vector.load %arg1[%get3A, %get3A_0, %get3A_1] : memref<4x400x144xf32, #tpu.memory_space<vmem>>, vector<1x400x144xf32>
    %get3A_3 = vector.shape_cast %get3A_2 : vector<1x400x144xf32> to vector<400x144xf32>
    %get3A_4 = arith.constant 1 : index
    %get3A_5 = arith.constant 0 : index
    %get3A_6 = arith.constant 0 : index
    %get3A_7 = vector.load %arg1[%get3A_4, %get3A_5, %get3A_6] : memref<4x400x144xf32, #tpu.memory_space<vmem>>, vector<1x400x144xf32>
    %get3A_8 = vector.shape_cast %get3A_7 : vector<1x400x144xf32> to vector<400x144xf32>
    %add3A = arith.addf %get3A_3, %get3A_8 : vector<400x144xf32>
    %get3A_9 = arith.constant 2 : index
    %get3A_10 = arith.constant 0 : index
    %get3A_11 = arith.constant 0 : index
    %get3A_12 = vector.load %arg1[%get3A_9, %get3A_10, %get3A_11] : memref<4x400x144xf32, #tpu.memory_space<vmem>>, vector<1x400x144xf32>
    %get3A_13 = vector.shape_cast %get3A_12 : vector<1x400x144xf32> to vector<400x144xf32>
    %add3A_14 = arith.addf %add3A, %get3A_13 : vector<400x144xf32>
    %get3A_15 = arith.constant 3 : index
    %get3A_16 = arith.constant 0 : index
    %get3A_17 = arith.constant 0 : index
    %get3A_18 = vector.load %arg1[%get3A_15, %get3A_16, %get3A_17] : memref<4x400x144xf32, #tpu.memory_space<vmem>>, vector<1x400x144xf32>
    %get3A_19 = vector.shape_cast %get3A_18 : vector<1x400x144xf32> to vector<400x144xf32>
    %add3A_20 = arith.addf %add3A_14, %get3A_19 : vector<400x144xf32>
    %slice3A = vector.extract_strided_slice %add3A_20 {offsets = [0, 128], sizes = [400, 8], strides = [1, 1]} : vector<400x144xf32> to vector<400x8xf32>
    %get3A_21 = arith.constant 0 : index
    %get3A_22 = arith.constant 0 : index
    %get3A_23 = vector.load %arg2[%get3A_21, %get3A_22] : memref<8x128xf32, #tpu.memory_space<vmem>>, vector<8x128xf32>
    %dot_general3A = arith.constant dense<0.000000e+00> : vector<400x128xf32>
    %dot_general3A_24 = tpu.matmul %slice3A, %get3A_23, %dot_general3A {dimension_numbers = #tpu.dot_dimension_numbers<[1], [0], [0], [1], [0, 0, 1, 1], [], []>, transpose_lhs_hint = false} : vector<400x8xf32>, vector<8x128xf32>, vector<400x128xf32> -> vector<400x128xf32>
    %slice3A_25 = vector.extract_strided_slice %add3A_20 {offsets = [0, 0], sizes = [400, 128], strides = [1, 1]} : vector<400x144xf32> to vector<400x128xf32>
    %add3A_26 = arith.constant 9.99999993E-9 : f32
    %add3A_27 = vector.broadcast %add3A_26 : f32 to vector<400x128xf32>
    %add3A_28 = arith.addf %dot_general3A_24, %add3A_27 : vector<400x128xf32>
    %div3A = arith.divf %slice3A_25, %add3A_28 : vector<400x128xf32>
    %swap3A = arith.constant 0 : index
    %swap3A_29 = arith.constant 0 : index
    %swap3A_30 = vector.load %arg3[%swap3A, %swap3A_29] : memref<400x128xf32, #tpu.memory_space<vmem>>, vector<400x128xf32>
    tpu.vector_store %arg3[%swap3A, %swap3A_29], %div3A {strides = array<i32>} : memref<400x128xf32, #tpu.memory_space<vmem>>, vector<400x128xf32>,
    return
  }
  func.func @transform_0(%arg0: i32) -> (i32, i32, i32) {
    %c0_i32 = arith.constant 0 : i32
    %c0_i32_0 = arith.constant 0 : i32
    %c0_i32_1 = arith.constant 0 : i32
    return %c0_i32, %arg0, %c0_i32_0 : i32, i32, i32
  }
  func.func @transform_1(%arg0: i32) -> (i32, i32) {
    %c0_i32 = arith.constant 0 : i32
    %c0_i32_0 = arith.constant 0 : i32
    %c0_i32_1 = arith.constant 0 : i32
    return %c0_i32, %c0_i32_0 : i32, i32
  }
  func.func @transform_2(%arg0: i32) -> (i32, i32) {
    %c0_i32 = arith.constant 0 : i32
    %c0_i32_0 = arith.constant 0 : i32
    return %arg0, %c0_i32 : i32, i32
  }
}

</mosaic_0001>

<sc_bundles>
// kernel: kernel.10.cloned.1.call-start
scs
__scs_entry_jumppad:
0x0: {  	(pc) =	sbr.rel $0x88, $3  }
0x1: {  	(tag) =	ssettag $0x0;
	lr =	simm.s32 $0x1  }
0x2: {  	[smem:$0x3F9C] =	sst lr;
	_ =	strace $0xD0000000  }
0x3: {  	_ = 	snop  }
0x4: {  	_ = 	snop  }
0x5: {  	_ = 	snop  }
0x6: {  	_ = 	snop  }
0x7: {  	_ = 	snop  }
__scs_overlays_trampoline_lowered:
0x8: {  	[smem:$0x3FAB] =	sst s0  }
0x9: {  	[smem:$0x3FAC] =	sst s1  }
0xa: {  	[smem:$0x3FAD] =	sst s2  }
0xb: {  	[smem:$0x3FAE] =	sst s3  }
0xc: {  	[smem:$0x3FAF] =	sst s4  }
0xd: {  	[smem:$0x3FB0] =	sst s5  }
0xe: {  	[smem:$0x3FB1] =	sst s6  }
0xf: {  	[smem:$0x3FB2] =	sst s7  }
0x10: {  	[smem:$0x3FB3] =	sst s8  }
0x11: {  	[smem:$0x3FB4] =	sst s9;
	s0 =	simm.s32 @!p0 $0x0  }
0x12: {  	s1 =	sld [smem:$0x3F9A];
	s0 =	simm.s32 @p0 $0x1  }
0x13: {  	[smem:$0x3FB5] =	sst s0;
	s0 =	simm.s32 @!p1 $0x0  }
0x14: {  	s2 =	sld [smem:$0x3F99];
	s0 =	simm.s32 @p1 $0x1  }
0x15: {  	[smem:$0x3FB6] =	sst s0;
	s0 =	simm.s32 @!p2 $0x0  }
0x16: {  	s3 =	sld [smem:$0x3FDB];
	s0 =	simm.s32 @p2 $0x1  }
0x17: {  	s4 =	simm.s32 $0x1BF5;
	[smem:$0x3FB8] =	sst s0  }
0x18: {  	s0 =	sld [smem:$0x3F9B];
	_ =	swait.ge [sflag:s4], $0x0  }
0x19: {  	s7 =	sld [smem:$0x3F9C]  }
0x1a: {  	s8 =	sadd.s32 $0xFFFFE003, lr  }
0x1b: {  	s9 =	sadd.s32 $0xFFFFFEF7, lr;
	s5 =	simm.s32 $0xFFFFFFFF;
	p2 =	slt.u32 s8, $0xFFFFF086  }
0x1c: {  	p1 =	slt.u32 s9, $0xF7A;
	s5 =	simm.s32 @!p2 $0x0  }
0x1d: {  	s5 =	simm.s32 @p1 $0x1;
	p0 =	seq.s32 s7, s2  }
0x1e: {  	s7 =	smul.u32 @!p0 $0xF7A, s2;
	p2 =	seq.s32 @!p0 s5, $0x0  }
0x1f: {  	s9 =	smul.u32 $0xF7A, s1;
	s8 =	simm.s32 @!p0 $0x1BF5;
	p2 =	por !p2, p0  }
0x20: {  	[sflag:s8] =	ssyncset.s32 @!p0 $0xFFFFF086;
	s6 =	sadd.s32 @!p0 s3, s7;
	s7 =	simm.s32 @!p0 $0x108  }
0x21: {  	s3 =	sadd.s32 s3, s9;
	s6 =	sadd.s32 @!p0 $0x88, s6;
	s7 =	simm.s32 @p2 $0x1082  }
0x22: {  	[simem:s7], [sflag:s8] =	dma.local @!p0 [hbm:s6], $0xF7A  }
0x23: {  	s9 =	sor.u32 $0xD0000000, s2;
	s6 =	simm.s32 $0x108;
	_ =	swait.ge @!p0 [sflag:s8], $0x0  }
0x24: {  	s3 =	sadd.s32 $0x88, s3;
	s6 =	simm.s32 @!p1 $0x1082;
	[sflag:s4] =	ssyncset.s32 $0xFFFFF086  }
0x25: {  	[simem:s6], [sflag:s4] =	dma.local [hbm:s3], $0xF7A  }
0x26: {  	[smem:$0x3F9C] =	sst s1;
	(tag) =	ssettag s2;
	_ =	strace s9  }
0x27: {  	s1 =	sld [smem:$0x3FAC]  }
0x28: {  	s2 =	sld [smem:$0x3FAD]  }
0x29: {  	s4 =	sld [smem:$0x3FAF]  }
0x2a: {  	p0 =	seq.s32 s5, $0x0;
	s5 =	sld [smem:$0x3FB0]  }
0x2b: {  	s6 =	sld [smem:$0x3FB1]  }
0x2c: {  	s7 =	sld [smem:$0x3FB2]  }
0x2d: {  	s3 =	simm.s32 $0x108;
	s8 =	sld [smem:$0x3FB3]  }
0x2e: {  	s3 =	simm.s32 @!p0 $0x1082;
	s9 =	sld [smem:$0x3FB4]  }
0x2f: {  	lr =	sadd.s32 s0, s3;
	s0 =	sld [smem:$0x3FAB]  }
0x30: {  	s3 =	sld [smem:$0x3FAE]  }
0x31: {  	[smem:$0x3FB7] =	sst s10  }
0x32: {  	s10 =	sld [smem:$0x3FB5];
	_ =	sdelay $0x3  }
0x33: {  	p0 =	seq.s32 s10, $0x1;
	s10 =	sld [smem:$0x3FB7];
	_ =	sdelay $0x3  }
0x34: {  	[smem:$0x3FB7] =	sst s10  }
0x35: {  	s10 =	sld [smem:$0x3FB6];
	_ =	sdelay $0x3  }
0x36: {  	p1 =	seq.s32 s10, $0x1;
	s10 =	sld [smem:$0x3FB7];
	_ =	sdelay $0x3  }
0x37: {  	[smem:$0x3FB7] =	sst s10  }
0x38: {  	s10 =	sld [smem:$0x3FB8]  }
0x39: {  	_ = 	snop;
	(pc) =	sbr.ind lr, $3  }
0x3a: {  	_ = 	snop  }
0x3b: {  	_ = 	snop  }
0x3c: {  	p2 =	seq.s32 s10, $0x1;
	s10 =	sld [smem:$0x3FB7]  }
0x3d: {  	_ =	shalt  }
0x3e: {  	_ =	shalt  }
0x3f: {  	_ =	shalt  }
0x40: {  	_ =	shalt  }
0x41: {  	_ =	shalt  }
0x42: {  	_ =	shalt  }
0x43: {  	_ =	shalt  }
0x44: {  	_ =	shalt  }
0x45: {  	_ =	shalt  }
0x46: {  	_ =	shalt  }
0x47: {  	_ =	shalt  }
0x48: {  	_ =	shalt  }
0x49: {  	_ =	shalt  }
0x4a: {  	_ =	shalt  }
0x4b: {  	_ =	shalt  }
0x4c: {  	_ =	shalt  }
0x4d: {  	_ =	shalt  }
0x4e: {  	_ =	shalt  }
0x4f: {  	_ =	shalt  }
0x50: {  	_ =	shalt  }
0x51: {  	_ =	shalt  }
0x52: {  	_ =	shalt  }
0x53: {  	_ =	shalt  }
0x54: {  	_ =	shalt  }
0x55: {  	_ =	shalt  }
0x56: {  	_ =	shalt  }
0x57: {  	_ =	shalt  }
0x58: {  	_ =	shalt  }
0x59: {  	_ =	shalt  }
0x5a: {  	_ =	shalt  }
0x5b: {  	_ =	shalt  }
0x5c: {  	_ =	shalt  }
0x5d: {  	_ =	shalt  }
0x5e: {  	_ =	shalt  }
0x5f: {  	_ =	shalt  }
0x60: {  	_ =	shalt  }
0x61: {  	_ =	shalt  }
0x62: {  	_ =	shalt  }
0x63: {  	_ =	shalt  }
0x64: {  	_ =	shalt  }
0x65: {  	_ =	shalt  }
0x66: {  	_ =	shalt  }
0x67: {  	_ =	shalt  }
0x68: {  	_ =	shalt  }
0x69: {  	_ =	shalt  }
0x6a: {  	_ =	shalt  }
0x6b: {  	_ =	shalt  }
0x6c: {  	_ =	shalt  }
0x6d: {  	_ =	shalt  }
0x6e: {  	_ =	shalt  }
0x6f: {  	_ =	shalt  }
0x70: {  	_ =	shalt  }
0x71: {  	_ =	shalt  }
0x72: {  	_ =	shalt  }
0x73: {  	_ =	shalt  }
0x74: {  	_ =	shalt  }
0x75: {  	_ =	shalt  }
0x76: {  	_ =	shalt  }
0x77: {  	_ =	shalt  }
0x78: {  	_ =	shalt  }
0x79: {  	_ =	shalt  }
0x7a: {  	_ =	shalt  }
0x7b: {  	_ =	shalt  }
0x7c: {  	_ =	shalt  }
0x7d: {  	_ =	shalt  }
0x7e: {  	_ =	shalt  }
0x7f: {  	_ =	shalt  }
0x80: {  	_ =	shalt  }
0x81: {  	_ =	shalt  }
0x82: {  	_ =	shalt  }
0x83: {  	_ =	shalt  }
0x84: {  	_ =	shalt  }
0x85: {  	_ =	shalt  }
0x86: {  	_ =	shalt  }
0x87: {  	_ =	shalt  }
.Lfunc_end0:
.L_simem_size_0:
called_computation_lowered:
.L_overlay_start_0:
0x88: {  	s2 =	sld [smem:$0x3FD9]  }
0x89: {  	s3 =	sld [smem:$0x3FFE];
	_ =	sdelay $0x1  }
0x8a: {  	s1 =	srdreg.scid  }
0x8b: {  	s0 =	sand.u32 $0x1, s1  }
0x8c: {  	s17 =	sshll.u32 s0, $0xA;
	s2 =	sadd.s32 s3, s2  }
0x8d: {  	s2 =	sadd.s32 s2, s17  }
0x8e: {  	[smem:$0x3FC3] =	sst s2  }
0x8f: {  	_ = 	snop  }
0x90: {  	s18 =	sld [smem:$0x3FD0];
	(tm) =	ssettm $0x1  }
0x91: {  	s19 =	sld [smem:$0x3FFB];
	_ =	sdelay $0x3  }
0x92: {  	_ =	strace s19  }
0x93: {  	s2 =	sld [smem:$0x3FFC];
	_ =	sdelay $0x3  }
0x94: {  	_ =	strace s2  }
0x95: {  	s2 =	sld [smem:$0x3FFD];
	_ =	sdelay $0x3  }
0x96: {  	_ =	strace s2  }
0x97: {  	_ =	strace $0x8FFFFFFF  }
0x98: {  	s20 =	sld [smem:$0x3FDB];
	_ =	sdelay $0x1  }
0x99: {  	s4 =	simm.s32 $_scs_section_size  }
0x9a: {  	s5 =	simm.s32 $_size__tile_overlayer_lowered;
	s6 =	simm.s32 $_tile_overlayer_lowered  }
0x9b: {  	s7 =	simm.s32 $0x1BFF;
	s21 =	sshll.u32 s6, $0x1;
	s4 =	sadd.s32 s4, s20  }
0x9c: {  	s22 =	simm.s32 $0x0;
	s5 =	sshll.u32 s5, $0x1;
	s6 =	sadd.s32 s21, s4  }
0x9d: {  	[timem:s22], [sflag:s7] =	dma.local [hbm:s6], s5  }
0x9e: {  	_ =	swait.ge [sflag:s7], s5  }
0x9f: {  	s5 =	ssub.s32 $0x0, s5;
	[sflag:s7] =	ssyncset.done $0x0  }
0xa0: {  	[sflag:s7] =	ssyncadd.s32 s5;
	_ =	sdelay $0x1  }
0xa1: {  	s23 =	simm.s32 $0x1B8B  }
0xa2: {  	_ =	swait.ge [sflag:s23], $0x1  }
0xa3: {  	[sflag:s23] =	ssyncset.done $0x0  }
0xa4: {  	[sflag:s23] =	ssyncadd.s32 $0xFFFFFFFF  }
0xa5: {  	s5 =	sld [smem:$0x0]  }
0xa6: {  	s6 =	sand.u32 $0xFFFFFFFE, s1  }
0xa7: {  	p0 =	sne.s32 s1, s6  }
0xa8: {  	s6 =	sshll.u32 @p0 s6, $0xE  }
0xa9: {  	s6 =	sadd.s32 @p0 $0x11B8D, s6;
	s7 =	sshll.u32 @p0 s5, $0x11  }
0xaa: {  	s6 =	sor.u32 @p0 s7, s6  }
0xab: {  	[sflag:s6] =	ssyncadd.remote.s32 @p0 $0x1;
	_ =	sdelay $0x1  }
0xac: {  	s6 =	simm.s32 @p0 $0x1B8D  }
0xad: {  	_ =	swait.eq @p0 [sflag:s6], $0x1  }
0xae: {  	[sflag:s6] =	ssyncadd.s32 @p0 $0xFFFFFFFF  }
0xaf: {  	s7 =	sshll.u32 @!p0 s1, $0xE  }
0xb0: {  	s7 =	sor.u32 @!p0 $0x4000, s7;
	s6 =	simm.s32 @!p0 $0x1B8D  }
0xb1: {  	s5 =	sshll.u32 @!p0 s5, $0x11;
	s7 =	sadd.s32 @!p0 $0x11B8D, s7;
	_ =	swait.eq @!p0 [sflag:s6], $0x1  }
0xb2: {  	s5 =	sor.u32 @!p0 s5, s7;
	[sflag:s6] =	ssyncadd.s32 @!p0 $0xFFFFFFFF  }
0xb3: {  	s25 =	simm.s32 $0x1B8E;
	s24 =	sld [smem:$0x3FFE];
	[sflag:s5] =	ssyncadd.remote.s32 @!p0 $0x1  }
0xb4: {  	s26 =	simm.s32 $execute0_lowered;
	[smem:$0x3FD2] =	sst s25  }
0xb5: {  	s6 =	sshll.u32 s26, $0x1;
	_ =	strace $0x80000049;
	[dreg:$0x1] =	wrdreg $0xFFFFFFFF  }
0xb6: {  	s28 =	simm.s32 $_size_execute0_lowered;
	s4 =	sadd.s32 s4, s6;
	[dreg:$0x0] =	wrdreg $0x0  }
0xb7: {  	s6 =	sshll.u32 s28, $0x1;
	[dreg:$0x2] =	wrdreg s4  }
0xb8: {  	[dreg:$0x3] =	wrdreg s6  }
0xb9: {  	[dreg:$0x4] =	wrdreg $0xC0  }
0xba: {  	_ =	task [dreg:s22], $0x5FFFF  }
0xbb: {  	[dreg:$0x1] =	wrdreg $0xFFFFFFFF  }
0xbc: {  	[dreg:$0x0] =	wrdreg $0x60  }
0xbd: {  	[dreg:$0x2] =	wrdreg s18  }
0xbe: {  	[dreg:$0x3] =	wrdreg s24  }
0xbf: {  	[dreg:$0x4] =	wrdreg $0x9  }
0xc0: {  	_ =	task.clear_ibuf [dreg:s22], $0x5FFFF;
	_ =	strace $0x90000049  }
0xc1: {  	s29 =	simm.s32 $0x9;
	_ =	strace $0x8000004B  }
0xc2: {  	_ =	swait.ge [sflag:s29], $0x1  }
0xc3: {  	[sflag:s29] =	ssyncadd.s32 $0xFFFFFFFF  }
0xc4: {  	_ =	strace $0x9000004B  }
0xc5: {  	_ =	sfence  }
0xc6: {  	s30 =	sld [smem:$0x0];
	_ =	sdelay $0x2  }
0xc7: {  	s31 =	sshll.u32 s1, $0xD;
	s1 =	sshrl.u32 s1, $0x2  }
0xc8: {  	s4 =	sand.u32 $0x4000, s31;
	s1 =	sadd.s32 s1, s30  }
0xc9: {  	s0 =	sor.u32 s4, s0;
	s1 =	sshll.u32 s1, $0x11  }
0xca: {  	s0 =	sor.u32 s1, s0  }
0xcb: {  	s0 =	sadd.s32 $0x8F2B, s0  }
0xcc: {  	[sflag:s0] =	ssyncadd.remote.s32 $0x1  }
0xcd: {  	_ =	sfence.sel $0xFFFF  }
0xce: {  	[dreg:$0x0] =	wrdreg $0xFFFFFFFF;
	(pc) =	sbr.abs _section_cstart, $3  }
0xcf: {  	[dreg:$0x1] =	wrdreg $0xFFFFFFFF  }
0xd0: {  	_ =	task.clear_ibuf [dreg:s22], $0x2FFFF;
	_ =	strace $0x9FFFFFFF  }
0xd1: {  	(tm) =	ssettm $0x7FFFFFFF  }
tec
execute0_lowered:
.L_overlay_start_1:
0x0: {  	(tag) =	ssettag $0x1  }
0x1: {  	s1 =	srdreg.scid;
	s2 =	rddreg [dreg:$0x0]  }
0x2: {  	s0 =	stileid.u32;
	s6 =	rddreg [dreg:$0x1];
	s13 =	simm.s32 $0x100  }
0x3: {  	s14 =	simm.s32 $0x4100;
	s15 =	simm.s32 $0x1;
	s16 =	simm.s32 $0x2  }
0x4: {  	s17 =	simm.s32 $0x0;
	s5 =	sand.u32 $0x1, s1;
	s4 =	smul.u32 $0x27, s0  }
0x5: {  	s1 =	rddreg [dreg:$0x2];
	s3 =	sshll.u32 s5, $0x4;
	s7 =	smul.u32 $0x270, s5  }
0x6: {  	s11 =	ssub.s32 $0x2, s5;
	s5 =	simm.s32 $0x28;
	s8 =	sor.u32 s0, s3  }
0x7: {  	s3 =	simm.s32 $0x0;
	s12 =	sshrl.u32 s11, $0x1;
	s9 =	smin.u32 s8, $0x2  }
0x8: {  	s4 =	sadd.s32 s4, s7;
	[smem:$0x7FF] =	sst s3;
	p0 =	slt.u32 s8, $0x2  }
0x9: {  	s31 =	ssub.s32 s11, s12;
	s11 =	simm.s32 $0x3;
	s12 =	simm.s32 $0x80  }
0xa: {  	s7 =	sadd.s32 s9, s4;
	_ =	strace $0x8000004A;
	s4 =	sadd.s32 $0xB800, s6  }
0xb: {  	s9 =	sshll.u32 s7, $0x4;
	s10 =	sshll.u32 s7, $0xB;
	s7 =	sshll.u32 s7, $0xC  }
0xc: {  	s5 =	simm.s32 @!p0 $0x27;
	s9 =	sadd.s32 s9, s6;
	s7 =	sadd.s32 s7, s6  }
0xd: {  	s10 =	sadd.s32 s10, s6;
	s7 =	sadd.s32 $0x7B6A00, s7;
	s8 =	sadd.s32 $0x7B1A00, s9  }
0xe: {  	s6 =	smax.u32 s31, $0x1;
	s9 =	sadd.s32 $0x7ACA00, s9;
	s10 =	sadd.s32 $0xC98A00, s10  }
.LBB2_1:
0xf: {  	[tilespmem:s3], [sflag:$0x3] =	stream.linear.gather [hbm4b:s8+s3], $0x80, $0x38;
	[tilespmem:$0xC100] =	vst v63  }
0x10: {  	_ =	swait.ge [sflag:s11], $0x80  }
0x11: {  	[sflag:s11] =	ssyncset.done $0x0  }
0x12: {  	[sflag:s11] =	ssyncadd.s32 $0xFFFFFF80  }
0x13: {  	[tilespmem:s12], [sflag:$0x3] =	stream.linear.gather [hbm4b:s9+s3], $0x80, $0x38;
	[tilespmem:$0xC100] =	vst v63  }
0x14: {  	_ =	swait.ge [sflag:s11], $0x80  }
0x15: {  	[sflag:s11] =	ssyncset.done $0x0  }
0x16: {  	[sflag:s11] =	ssyncadd.s32 $0xFFFFFF80  }
0x17: {  	[tilespmem:s13], [sflag:$0x1] =	stream.indirect.gather [hbm4b:s2+s12], $0x80, s3, s12, $0xb8;
	[tilespmem:$0xC100] =	vst v63  }
0x18: {  	_ = 	snop  }
0x19: {  	[tilespmem:s14], [sflag:$0x2] =	stream.indirect.gather [hbm4b:s4+s12], $0x100, s12, s12, $0xb8;
	[tilespmem:$0xC100] =	vst v63  }
0x1a: {  	_ =	swait.ge [sflag:s15], $0x4000  }
0x1b: {  	[sflag:s15] =	ssyncset.done $0x0  }
0x1c: {  	[sflag:s15] =	ssyncadd.s32 $0xFFFFC000  }
0x1d: {  	_ =	swait.ge [sflag:s16], $0x8000  }
0x1e: {  	[sflag:s16] =	ssyncset.done $0x0  }
0x1f: {  	[sflag:s16] =	ssyncadd.s32 $0xFFFF8000  }
0x20: {  	[hbm4b:s10+s3] =	stream.linear.scatter [tilespmem:s13], [sflag:$0x3], $0x4000, $0x38;
	[tilespmem:$0xC100] =	vst v63  }
0x21: {  	p0 =	sne.s32 s5, $0x1;
	_ =	swait.ge [sflag:s11], $0x4000  }
.Ltmp0:
0x22: {  	[sflag:s11] =	ssyncset.done $0x0;
	(pc) =	sbr.rel @!p0 .LBB2_3-.Ltmp0, $4  }
0x23: {  	s18 =	sadd.s32 $0xFFFFFFFF, s5;
	[sflag:s11] =	ssyncadd.s32 $0xFFFFC000  }
0x24: {  	[hbm4b:s7+s3] =	stream.linear.scatter [tilespmem:s14], [sflag:$0x3], $0x8000, $0x38;
	[tilespmem:$0xC100] =	vst v63  }
0x25: {  	s19 =	sadd.s32 $0x10, s9;
	s20 =	sadd.s32 $0x800, s10;
	_ =	swait.ge [sflag:s11], $0x8000  }
0x26: {  	s21 =	smov.u32 s7;
	s22 =	smov.u32 s8;
	[sflag:s11] =	ssyncset.done $0x0  }
.LBB2_2:
0x27: {  	[sflag:s11] =	ssyncadd.s32 $0xFFFF8000;
	s21 =	sadd.s32 $0x1000, s21;
	s22 =	sadd.s32 $0x10, s22  }
0x28: {  	[tilespmem:s3], [sflag:$0x3] =	stream.linear.gather [hbm4b:s22+s3], $0x80, $0x38;
	[tilespmem:$0xC100] =	vst v63  }
0x29: {  	p0 =	sne.s32 s18, $0x1;
	s18 =	sadd.s32 $0xFFFFFFFF, s18;
	_ =	swait.ge [sflag:s11], $0x80  }
0x2a: {  	[sflag:s11] =	ssyncset.done $0x0  }
0x2b: {  	[sflag:s11] =	ssyncadd.s32 $0xFFFFFF80  }
0x2c: {  	[tilespmem:s12], [sflag:$0x3] =	stream.linear.gather [hbm4b:s19+s3], $0x80, $0x38;
	[tilespmem:$0xC100] =	vst v63  }
0x2d: {  	_ =	swait.ge [sflag:s11], $0x80  }
0x2e: {  	[sflag:s11] =	ssyncset.done $0x0  }
0x2f: {  	[sflag:s11] =	ssyncadd.s32 $0xFFFFFF80  }
0x30: {  	[tilespmem:s13], [sflag:$0x1] =	stream.indirect.gather [hbm4b:s2+s12], $0x80, s3, s12, $0xb8;
	[tilespmem:$0xC100] =	vst v63  }
0x31: {  	_ = 	snop  }
0x32: {  	[tilespmem:s14], [sflag:$0x2] =	stream.indirect.gather [hbm4b:s4+s12], $0x100, s12, s12, $0xb8;
	[tilespmem:$0xC100] =	vst v63  }
0x33: {  	_ =	swait.ge [sflag:s15], $0x4000  }
0x34: {  	[sflag:s15] =	ssyncset.done $0x0  }
0x35: {  	[sflag:s15] =	ssyncadd.s32 $0xFFFFC000  }
0x36: {  	_ =	swait.ge [sflag:s16], $0x8000  }
0x37: {  	[sflag:s16] =	ssyncset.done $0x0  }
0x38: {  	[sflag:s16] =	ssyncadd.s32 $0xFFFF8000  }
0x39: {  	[hbm4b:s20+s3] =	stream.linear.scatter [tilespmem:s13], [sflag:$0x3], $0x4000, $0x38;
	[tilespmem:$0xC100] =	vst v63  }
0x3a: {  	_ =	swait.ge [sflag:s11], $0x4000  }
.Ltmp1:
0x3b: {  	[sflag:s11] =	ssyncset.done $0x0;
	(pc) =	sbr.rel @p0 .LBB2_2-.Ltmp1, $4  }
0x3c: {  	[sflag:s11] =	ssyncadd.s32 $0xFFFFC000  }
0x3d: {  	[hbm4b:s21+s3] =	stream.linear.scatter [tilespmem:s14], [sflag:$0x3], $0x8000, $0x38;
	[tilespmem:$0xC100] =	vst v63  }
0x3e: {  	_ =	swait.ge [sflag:s11], $0x8000  }
0x3f: {  	s19 =	sadd.s32 $0x10, s19;
	s20 =	sadd.s32 $0x800, s20;
	[sflag:s11] =	ssyncset.done $0x0  }
.LBB2_3:
0x40: {  	s17 =	sadd.s32 $0x1, s17  }
0x41: {  	p0 =	sne.s32 s17, s6  }
.Ltmp2:
0x42: {  	_ = 	snop;
	(pc) =	sbr.rel @p0 .LBB2_1-.Ltmp2, $2  }
0x43: {  	_ =	sdelay $0x2  }
0x44: {  	[sflag:s11] =	ssyncadd.s32 $0xFFFF8000  }
0x45: {  	_ =	sfence.sel $0x180000  }
0x46: {  	[bflag:$0x0] =	sbarrier.arrive $0xFFFF  }
0x47: {  	p0 =	sne.s32 s0, $0x0;
	_ =	strace $0x9000004A  }
0x48: {  	s0 =	sadd.s32 @!p0 $0x100000, s1;
	[bflag:$0x2] =	sbarrier.arrive $0xFFFF  }
0x49: {  	[sflag:s0] =	ssyncadd.tile.s32 @!p0 $0x1;
	_ =	shalt  }
.Lfunc_end2:
_tile_overlayer_lowered:
.L_overlay_start_2:
0x4a: {  	(tag) =	ssettag $0x2  }
0x4b: {  	s0 =	rddreg [dreg:$0x0];
	s2 =	stileid.u32  }
0x4c: {  	s1 =	rddreg [dreg:$0x1];
	p0 =	sne.s32 s2, $0x0  }
0x4d: {  	s3 =	rddreg [dreg:$0x2];
	[bflag:$0x3] =	sbarrier.arrive $0xFFFF;
	s2 =	simm.s32 @!p0 $0x1C03  }
0x4e: {  	[timem:s3], [sflag:s2] =	dma.local @!p0 [hbm:s0], s1  }
0x4f: {  	s0 =	simm.s32 @!p0 $0x3  }
0x50: {  	_ =	swait.ge @!p0 [sflag:s0], s1  }
0x51: {  	s1 =	ssub.s32 @!p0 $0x0, s1;
	[sflag:s0] =	ssyncset.done @!p0 $0x0  }
0x52: {  	[sflag:s0] =	ssyncadd.s32 @!p0 s1  }
0x53: {  	[bflag:$0x3] =	sbarrier.arrive $0xFFFF  }
0x54: {  	_ =	shalt  }

// kernel: kernel.13.cloned.1.call-start
scs
__scs_entry_jumppad:
0x0: {  	(pc) =	sbr.rel $0x88, $3  }
0x1: {  	(tag) =	ssettag $0x0;
	lr =	simm.s32 $0x1  }
0x2: {  	[smem:$0x3F9C] =	sst lr;
	_ =	strace $0xD0000000  }
0x3: {  	_ = 	snop  }
0x4: {  	_ = 	snop  }
0x5: {  	_ = 	snop  }
0x6: {  	_ = 	snop  }
0x7: {  	_ = 	snop  }
__scs_overlays_trampoline_lowered:
0x8: {  	[smem:$0x3FAB] =	sst s0  }
0x9: {  	[smem:$0x3FAC] =	sst s1  }
0xa: {  	[smem:$0x3FAD] =	sst s2  }
0xb: {  	[smem:$0x3FAE] =	sst s3  }
0xc: {  	[smem:$0x3FAF] =	sst s4  }
0xd: {  	[smem:$0x3FB0] =	sst s5  }
0xe: {  	[smem:$0x3FB1] =	sst s6  }
0xf: {  	[smem:$0x3FB2] =	sst s7  }
0x10: {  	[smem:$0x3FB3] =	sst s8  }
0x11: {  	[smem:$0x3FB4] =	sst s9;
	s0 =	simm.s32 @!p0 $0x0  }
0x12: {  	s1 =	sld [smem:$0x3F9A];
	s0 =	simm.s32 @p0 $0x1  }
0x13: {  	[smem:$0x3FB5] =	sst s0;
	s0 =	simm.s32 @!p1 $0x0  }
0x14: {  	s2 =	sld [smem:$0x3F99];
	s0 =	simm.s32 @p1 $0x1  }
0x15: {  	[smem:$0x3FB6] =	sst s0;
	s0 =	simm.s32 @!p2 $0x0  }
0x16: {  	s3 =	sld [smem:$0x3FDB];
	s0 =	simm.s32 @p2 $0x1  }
0x17: {  	s4 =	simm.s32 $0x1BF5;
	[smem:$0x3FB8] =	sst s0  }
0x18: {  	s0 =	sld [smem:$0x3F9B];
	_ =	swait.ge [sflag:s4], $0x0  }
0x19: {  	s7 =	sld [smem:$0x3F9C]  }
0x1a: {  	s8 =	sadd.s32 $0xFFFFE003, lr  }
0x1b: {  	s9 =	sadd.s32 $0xFFFFFEF7, lr;
	s5 =	simm.s32 $0xFFFFFFFF;
	p2 =	slt.u32 s8, $0xFFFFF086  }
0x1c: {  	p1 =	slt.u32 s9, $0xF7A;
	s5 =	simm.s32 @!p2 $0x0  }
0x1d: {  	s5 =	simm.s32 @p1 $0x1;
	p0 =	seq.s32 s7, s2  }
0x1e: {  	s7 =	smul.u32 @!p0 $0xF7A, s2;
	p2 =	seq.s32 @!p0 s5, $0x0  }
0x1f: {  	s9 =	smul.u32 $0xF7A, s1;
	s8 =	simm.s32 @!p0 $0x1BF5;
	p2 =	por !p2, p0  }
0x20: {  	[sflag:s8] =	ssyncset.s32 @!p0 $0xFFFFF086;
	s6 =	sadd.s32 @!p0 s3, s7;
	s7 =	simm.s32 @!p0 $0x108  }
0x21: {  	s3 =	sadd.s32 s3, s9;
	s6 =	sadd.s32 @!p0 $0x88, s6;
	s7 =	simm.s32 @p2 $0x1082  }
0x22: {  	[simem:s7], [sflag:s8] =	dma.local @!p0 [hbm:s6], $0xF7A  }
0x23: {  	s9 =	sor.u32 $0xD0000000, s2;
	s6 =	simm.s32 $0x108;
	_ =	swait.ge @!p0 [sflag:s8], $0x0  }
0x24: {  	s3 =	sadd.s32 $0x88, s3;
	s6 =	simm.s32 @!p1 $0x1082;
	[sflag:s4] =	ssyncset.s32 $0xFFFFF086  }
0x25: {  	[simem:s6], [sflag:s4] =	dma.local [hbm:s3], $0xF7A  }
0x26: {  	[smem:$0x3F9C] =	sst s1;
	(tag) =	ssettag s2;
	_ =	strace s9  }
0x27: {  	s1 =	sld [smem:$0x3FAC]  }
0x28: {  	s2 =	sld [smem:$0x3FAD]  }
0x29: {  	s4 =	sld [smem:$0x3FAF]  }
0x2a: {  	p0 =	seq.s32 s5, $0x0;
	s5 =	sld [smem:$0x3FB0]  }
0x2b: {  	s6 =	sld [smem:$0x3FB1]  }
0x2c: {  	s7 =	sld [smem:$0x3FB2]  }
0x2d: {  	s3 =	simm.s32 $0x108;
	s8 =	sld [smem:$0x3FB3]  }
0x2e: {  	s3 =	simm.s32 @!p0 $0x1082;
	s9 =	sld [smem:$0x3FB4]  }
0x2f: {  	lr =	sadd.s32 s0, s3;
	s0 =	sld [smem:$0x3FAB]  }
0x30: {  	s3 =	sld [smem:$0x3FAE]  }
0x31: {  	[smem:$0x3FB7] =	sst s10  }
0x32: {  	s10 =	sld [smem:$0x3FB5];
	_ =	sdelay $0x3  }
0x33: {  	p0 =	seq.s32 s10, $0x1;
	s10 =	sld [smem:$0x3FB7];
	_ =	sdelay $0x3  }
0x34: {  	[smem:$0x3FB7] =	sst s10  }
0x35: {  	s10 =	sld [smem:$0x3FB6];
	_ =	sdelay $0x3  }
0x36: {  	p1 =	seq.s32 s10, $0x1;
	s10 =	sld [smem:$0x3FB7];
	_ =	sdelay $0x3  }
0x37: {  	[smem:$0x3FB7] =	sst s10  }
0x38: {  	s10 =	sld [smem:$0x3FB8]  }
0x39: {  	_ = 	snop;
	(pc) =	sbr.ind lr, $3  }
0x3a: {  	_ = 	snop  }
0x3b: {  	_ = 	snop  }
0x3c: {  	p2 =	seq.s32 s10, $0x1;
	s10 =	sld [smem:$0x3FB7]  }
0x3d: {  	_ =	shalt  }
0x3e: {  	_ =	shalt  }
0x3f: {  	_ =	shalt  }
0x40: {  	_ =	shalt  }
0x41: {  	_ =	shalt  }
0x42: {  	_ =	shalt  }
0x43: {  	_ =	shalt  }
0x44: {  	_ =	shalt  }
0x45: {  	_ =	shalt  }
0x46: {  	_ =	shalt  }
0x47: {  	_ =	shalt  }
0x48: {  	_ =	shalt  }
0x49: {  	_ =	shalt  }
0x4a: {  	_ =	shalt  }
0x4b: {  	_ =	shalt  }
0x4c: {  	_ =	shalt  }
0x4d: {  	_ =	shalt  }
0x4e: {  	_ =	shalt  }
0x4f: {  	_ =	shalt  }
0x50: {  	_ =	shalt  }
0x51: {  	_ =	shalt  }
0x52: {  	_ =	shalt  }
0x53: {  	_ =	shalt  }
0x54: {  	_ =	shalt  }
0x55: {  	_ =	shalt  }
0x56: {  	_ =	shalt  }
0x57: {  	_ =	shalt  }
0x58: {  	_ =	shalt  }
0x59: {  	_ =	shalt  }
0x5a: {  	_ =	shalt  }
0x5b: {  	_ =	shalt  }
0x5c: {  	_ =	shalt  }
0x5d: {  	_ =	shalt  }
0x5e: {  	_ =	shalt  }
0x5f: {  	_ =	shalt  }
0x60: {  	_ =	shalt  }
0x61: {  	_ =	shalt  }
0x62: {  	_ =	shalt  }
0x63: {  	_ =	shalt  }
0x64: {  	_ =	shalt  }
0x65: {  	_ =	shalt  }
0x66: {  	_ =	shalt  }
0x67: {  	_ =	shalt  }
0x68: {  	_ =	shalt  }
0x69: {  	_ =	shalt  }
0x6a: {  	_ =	shalt  }
0x6b: {  	_ =	shalt  }
0x6c: {  	_ =	shalt  }
0x6d: {  	_ =	shalt  }
0x6e: {  	_ =	shalt  }
0x6f: {  	_ =	shalt  }
0x70: {  	_ =	shalt  }
0x71: {  	_ =	shalt  }
0x72: {  	_ =	shalt  }
0x73: {  	_ =	shalt  }
0x74: {  	_ =	shalt  }
0x75: {  	_ =	shalt  }
0x76: {  	_ =	shalt  }
0x77: {  	_ =	shalt  }
0x78: {  	_ =	shalt  }
0x79: {  	_ =	shalt  }
0x7a: {  	_ =	shalt  }
0x7b: {  	_ =	shalt  }
0x7c: {  	_ =	shalt  }
0x7d: {  	_ =	shalt  }
0x7e: {  	_ =	shalt  }
0x7f: {  	_ =	shalt  }
0x80: {  	_ =	shalt  }
0x81: {  	_ =	shalt  }
0x82: {  	_ =	shalt  }
0x83: {  	_ =	shalt  }
0x84: {  	_ =	shalt  }
0x85: {  	_ =	shalt  }
0x86: {  	_ =	shalt  }
0x87: {  	_ =	shalt  }
.Lfunc_end0:
.L_simem_size_0:
called_computation.1_lowered:
.L_overlay_start_0:
0x88: {  	s2 =	sld [smem:$0x3FD9]  }
0x89: {  	s3 =	sld [smem:$0x3FFE];
	_ =	sdelay $0x1  }
0x8a: {  	s1 =	srdreg.scid  }
0x8b: {  	s0 =	sand.u32 $0x1, s1  }
0x8c: {  	s17 =	sshll.u32 s0, $0xA;
	s2 =	sadd.s32 s3, s2  }
0x8d: {  	s2 =	sadd.s32 s2, s17  }
0x8e: {  	[smem:$0x3FC3] =	sst s2  }
0x8f: {  	_ = 	snop  }
0x90: {  	(tm) =	ssettm $0x1  }
0x91: {  	s18 =	sld [smem:$0x3FFB];
	_ =	sdelay $0x3  }
0x92: {  	_ =	strace s18  }
0x93: {  	s2 =	sld [smem:$0x3FFC];
	_ =	sdelay $0x3  }
0x94: {  	_ =	strace s2  }
0x95: {  	s2 =	sld [smem:$0x3FFD];
	_ =	sdelay $0x3  }
0x96: {  	_ =	strace s2  }
0x97: {  	_ =	strace $0x8FFFFFFF  }
0x98: {  	s19 =	sld [smem:$0x3FDB];
	_ =	sdelay $0x1  }
0x99: {  	s20 =	simm.s32 $_scs_section_size  }
0x9a: {  	s4 =	simm.s32 $_size__tile_overlayer_lowered;
	s5 =	simm.s32 $_tile_overlayer_lowered  }
0x9b: {  	s6 =	simm.s32 $0x1BFF;
	s21 =	sshll.u32 s5, $0x1;
	s3 =	sadd.s32 s20, s19  }
0x9c: {  	s22 =	simm.s32 $0x0;
	s4 =	sshll.u32 s4, $0x1;
	s5 =	sadd.s32 s21, s3  }
0x9d: {  	[timem:s22], [sflag:s6] =	dma.local [hbm:s5], s4  }
0x9e: {  	_ =	swait.ge [sflag:s6], s4  }
0x9f: {  	s4 =	ssub.s32 $0x0, s4;
	[sflag:s6] =	ssyncset.done $0x0  }
0xa0: {  	[sflag:s6] =	ssyncadd.s32 s4;
	_ =	sdelay $0x1  }
0xa1: {  	s23 =	simm.s32 $0x1B8B  }
0xa2: {  	_ =	swait.ge [sflag:s23], $0x1  }
0xa3: {  	[sflag:s23] =	ssyncset.done $0x0  }
0xa4: {  	[sflag:s23] =	ssyncadd.s32 $0xFFFFFFFF  }
0xa5: {  	s4 =	sld [smem:$0x0]  }
0xa6: {  	s5 =	sand.u32 $0xFFFFFFFE, s1  }
0xa7: {  	p0 =	sne.s32 s1, s5  }
0xa8: {  	s5 =	sshll.u32 @p0 s5, $0xE  }
0xa9: {  	s5 =	sadd.s32 @p0 $0x11B8D, s5;
	s6 =	sshll.u32 @p0 s4, $0x11  }
0xaa: {  	s5 =	sor.u32 @p0 s6, s5  }
0xab: {  	[sflag:s5] =	ssyncadd.remote.s32 @p0 $0x1;
	_ =	sdelay $0x1  }
0xac: {  	s5 =	simm.s32 @p0 $0x1B8D  }
0xad: {  	_ =	swait.eq @p0 [sflag:s5], $0x1  }
0xae: {  	[sflag:s5] =	ssyncadd.s32 @p0 $0xFFFFFFFF  }
0xaf: {  	s6 =	sshll.u32 @!p0 s1, $0xE  }
0xb0: {  	s6 =	sor.u32 @!p0 $0x4000, s6;
	s5 =	simm.s32 @!p0 $0x1B8D  }
0xb1: {  	s4 =	sshll.u32 @!p0 s4, $0x11;
	s6 =	sadd.s32 @!p0 $0x11B8D, s6;
	_ =	swait.eq @!p0 [sflag:s5], $0x1  }
0xb2: {  	s4 =	sor.u32 @!p0 s4, s6;
	[sflag:s5] =	ssyncadd.s32 @!p0 $0xFFFFFFFF  }
0xb3: {  	s25 =	simm.s32 $0x1B8E;
	s24 =	sld [smem:$0x3FFE];
	[sflag:s4] =	ssyncadd.remote.s32 @!p0 $0x1  }
0xb4: {  	s26 =	simm.s32 $execute0_lowered;
	[smem:$0x3FD2] =	sst s25  }
0xb5: {  	s5 =	sshll.u32 s26, $0x1;
	_ =	strace $0x8000004F;
	[dreg:$0x1] =	wrdreg $0xFFFFFFFF  }
0xb6: {  	s28 =	simm.s32 $_size_execute0_lowered;
	s3 =	sadd.s32 s3, s5;
	[dreg:$0x0] =	wrdreg $0x0  }
0xb7: {  	s5 =	sshll.u32 s28, $0x1;
	[dreg:$0x2] =	wrdreg s3  }
0xb8: {  	[dreg:$0x3] =	wrdreg s5  }
0xb9: {  	[dreg:$0x4] =	wrdreg $0xC0  }
0xba: {  	_ =	task [dreg:s22], $0x5FFFF  }
0xbb: {  	[dreg:$0x1] =	wrdreg $0xFFFFFFFF  }
0xbc: {  	[dreg:$0x0] =	wrdreg $0x60  }
0xbd: {  	[dreg:$0x2] =	wrdreg s24  }
0xbe: {  	[dreg:$0x3] =	wrdreg $0x48800  }
0xbf: {  	[dreg:$0x4] =	wrdreg $0x9  }
0xc0: {  	_ =	task.clear_ibuf [dreg:s22], $0x5FFFF;
	_ =	strace $0x9000004F  }
0xc1: {  	s29 =	simm.s32 $0x9;
	_ =	strace $0x80000051  }
0xc2: {  	_ =	swait.ge [sflag:s29], $0x1  }
0xc3: {  	[sflag:s29] =	ssyncadd.s32 $0xFFFFFFFF  }
0xc4: {  	_ =	strace $0x90000051  }
0xc5: {  	_ =	sfence  }
0xc6: {  	s30 =	sld [smem:$0x0];
	_ =	sdelay $0x2  }
0xc7: {  	s31 =	sshll.u32 s1, $0xD;
	s1 =	sshrl.u32 s1, $0x2  }
0xc8: {  	s4 =	sand.u32 $0x4000, s31;
	s1 =	sadd.s32 s1, s30  }
0xc9: {  	s0 =	sor.u32 s4, s0;
	s1 =	sshll.u32 s1, $0x11  }
0xca: {  	s0 =	sor.u32 s1, s0  }
0xcb: {  	s0 =	sadd.s32 $0x8F2B, s0  }
0xcc: {  	[sflag:s0] =	ssyncadd.remote.s32 $0x1  }
0xcd: {  	_ =	sfence.sel $0xFFFF  }
0xce: {  	[dreg:$0x0] =	wrdreg $0xFFFFFFFF;
	(pc) =	sbr.abs _section_cstart, $3  }
0xcf: {  	[dreg:$0x1] =	wrdreg $0xFFFFFFFF  }
0xd0: {  	_ =	task.clear_ibuf [dreg:s22], $0x2FFFF;
	_ =	strace $0x9FFFFFFF  }
0xd1: {  	(tm) =	ssettm $0x7FFFFFFF  }
tec
execute0_lowered:
.L_overlay_start_1:
0x0: {  	(tag) =	ssettag $0x1  }
0x1: {  	s0 =	srdreg.scid  }
0x2: {  	s6 =	stileid.u32;
	s2 =	simm.s32 $0x1;
	s5 =	rddreg [dreg:$0x0]  }
0x3: {  	s3 =	simm.s32 $0x1;
	s14 =	simm.s32 $0x0;
	s1 =	smul.u32 $0x27, s6  }
0x4: {  	s4 =	sand.u32 $0x1, s0;
	p0 =	sne.s32 s6, $0x0;
	s9 =	smul.u32 $0x16800, s6  }
0x5: {  	s31 =	sshll.u32 s6, $0x6;
	p1 =	seq.s32 s6, $0x0;
	s0 =	smul.u32 $0x271, s4  }
0x6: {  	s6 =	simm.s32 $0x28;
	s2 =	simm.s32 @!p0 $0x0;
	s10 =	smul.u32 $0x168000, s4  }
0x7: {  	s4 =	ssub.s32 $0x2, s4;
	s6 =	simm.s32 @!p1 $0x27;
	s29 =	sshrl.u32 s9, $0x3  }
0x8: {  	s30 =	sshrl.u32 s4, $0x1;
	s0 =	sadd.s32 s1, s0;
	s1 =	rddreg [dreg:$0x1]  }
0x9: {  	s28 =	sadd.s32 s9, s10;
	s10 =	ssub.s32 s4, s30;
	s7 =	sadd.s32 s2, s0  }
0xa: {  	s0 =	rddreg [dreg:$0x2];
	s2 =	simm.s32 $0x0;
	s13 =	sadd.s32 s9, s1  }
0xb: {  	s8 =	smul.u32 $0x900, s7;
	[smem:$0x7FF] =	sst s2;
	s7 =	sshll.u32 s7, $0x4  }
0xc: {  	_ =	strace $0x80000050;
	s12 =	sadd.s32 s7, s5;
	s7 =	sshrl.u32 s28, $0x3  }
0xd: {  	s11 =	sadd.s32 s8, s5;
	s8 =	sadd.s32 s29, s5;
	s7 =	sadd.s32 s7, s5  }
0xe: {  	s5 =	sor.u32 $0x1C02, s31;
	s4 =	sadd.s32 $0x59A00, s8;
	s7 =	sadd.s32 $0x39FC00, s7  }
0xf: {  	s8 =	smax.u32 s10, $0x1;
	s9 =	sadd.s32 $0xE0A00, s11;
	s10 =	sadd.s32 $0x7B1A00, s12  }
0x10: {  	s11 =	sshrl.u32 s13, $0x3;
	s12 =	simm.s32 $0x2;
	s13 =	simm.s32 $0x80  }
.LBB2_1:
0x11: {  	[spmem:s11], [sflag:s5] =	dma.local [hbm:s4], $0x2D00  }
0x12: {  	_ =	swait.ge [sflag:s12], $0x2D00  }
0x13: {  	[sflag:s12] =	ssyncset.done $0x0  }
0x14: {  	[sflag:s12] =	ssyncadd.s32 $0xFFFFD300  }
0x15: {  	[bflag:$0x0] =	sbarrier.arrive $0xFFFF  }
0x16: {  	[tilespmem:s2], [sflag:$0x2] =	stream.linear.gather [hbm4b:s10+s2], $0x80, $0x38;
	[tilespmem:$0x1B080] =	vst v63  }
0x17: {  	_ =	swait.ge [sflag:s12], $0x80  }
0x18: {  	[sflag:s12] =	ssyncset.done $0x0  }
0x19: {  	[sflag:s12] =	ssyncadd.s32 $0xFFFFFF80  }
0x1a: {  	[tilespmem:s13], [sflag:$0x1] =	stream.linear.gather [hbm4b:s9+s2], $0x4800, $0x38;
	[tilespmem:$0x1B080] =	vst v63  }
0x1b: {  	p1 =	sne.s32 s6, $0x1;
	_ =	swait.ge [sflag:s3], $0x4800  }
.Ltmp0:
0x1c: {  	[sflag:s3] =	ssyncset.done $0x0;
	(pc) =	sbr.rel @!p1 .LBB2_3-.Ltmp0, $4  }
0x1d: {  	[sflag:s3] =	ssyncadd.s32 $0xFFFFB800  }
0x1e: {  	[spmem:s1] =	stream.indirect.scatter.add.f32 [tilespmem:s13], [sflag:$0x2], $0x90, s2, s13, $0xb8;
	[tilespmem:$0x1B080] =	vst v63  }
0x1f: {  	s15 =	sadd.s32 $0xFFFFFFFF, s6;
	_ =	swait.ge [sflag:s12], $0x4800  }
0x20: {  	s16 =	smov.u32 s9;
	s17 =	smov.u32 s10;
	[sflag:s12] =	ssyncset.done $0x0  }
.LBB2_2:
0x21: {  	[sflag:s12] =	ssyncadd.s32 $0xFFFFB800;
	s16 =	sadd.s32 $0x900, s16;
	s17 =	sadd.s32 $0x10, s17  }
0x22: {  	[tilespmem:s2], [sflag:$0x2] =	stream.linear.gather [hbm4b:s17+s2], $0x80, $0x38;
	[tilespmem:$0x1B080] =	vst v63  }
0x23: {  	p1 =	sne.s32 s15, $0x1;
	s15 =	sadd.s32 $0xFFFFFFFF, s15;
	_ =	swait.ge [sflag:s12], $0x80  }
0x24: {  	[sflag:s12] =	ssyncset.done $0x0  }
0x25: {  	[sflag:s12] =	ssyncadd.s32 $0xFFFFFF80  }
0x26: {  	[tilespmem:s13], [sflag:$0x1] =	stream.linear.gather [hbm4b:s16+s2], $0x4800, $0x38;
	[tilespmem:$0x1B080] =	vst v63  }
0x27: {  	_ =	swait.ge [sflag:s3], $0x4800  }
.Ltmp1:
0x28: {  	[sflag:s3] =	ssyncset.done $0x0;
	(pc) =	sbr.rel @p1 .LBB2_2-.Ltmp1, $4  }
0x29: {  	[sflag:s3] =	ssyncadd.s32 $0xFFFFB800  }
0x2a: {  	[spmem:s1] =	stream.indirect.scatter.add.f32 [tilespmem:s13], [sflag:$0x2], $0x90, s2, s13, $0xb8;
	[tilespmem:$0x1B080] =	vst v63  }
0x2b: {  	_ =	swait.ge [sflag:s12], $0x4800  }
0x2c: {  	[sflag:s12] =	ssyncset.done $0x0  }
.LBB2_3:
0x2d: {  	s14 =	sadd.s32 $0x1, s14  }
0x2e: {  	[sflag:s12] =	ssyncadd.s32 $0xFFFFB800;
	p1 =	sne.s32 s14, s8  }
.Ltmp2:
0x2f: {  	[bflag:$0x0] =	sbarrier.arrive $0xFFFF;
	(pc) =	sbr.rel @p1 .LBB2_1-.Ltmp2, $4  }
0x30: {  	[hbm:s7], [sflag:s5] =	dma.local [spmem:s11], $0x2D00  }
0x31: {  	_ =	swait.ge [sflag:s12], $0x2D00  }
0x32: {  	[sflag:s12] =	ssyncset.done $0x0  }
0x33: {  	[sflag:s12] =	ssyncadd.s32 $0xFFFFD300  }
0x34: {  	_ =	sfence.sel $0x180000  }
0x35: {  	[bflag:$0x0] =	sbarrier.arrive $0xFFFF  }
0x36: {  	_ =	strace $0x90000050  }
0x37: {  	s0 =	sadd.s32 @!p0 $0x100000, s0;
	[bflag:$0x2] =	sbarrier.arrive $0xFFFF  }
0x38: {  	[sflag:s0] =	ssyncadd.tile.s32 @!p0 $0x1;
	_ =	shalt  }
.Lfunc_end2:
_tile_overlayer_lowered:
.L_overlay_start_2:
0x39: {  	(tag) =	ssettag $0x2  }
0x3a: {  	s0 =	rddreg [dreg:$0x0];
	s2 =	stileid.u32  }
0x3b: {  	s1 =	rddreg [dreg:$0x1];
	p0 =	sne.s32 s2, $0x0  }
0x3c: {  	s3 =	rddreg [dreg:$0x2];
	[bflag:$0x3] =	sbarrier.arrive $0xFFFF;
	s2 =	simm.s32 @!p0 $0x1C02  }
0x3d: {  	[timem:s3], [sflag:s2] =	dma.local @!p0 [hbm:s0], s1  }
0x3e: {  	s0 =	simm.s32 @!p0 $0x2  }
0x3f: {  	_ =	swait.ge @!p0 [sflag:s0], s1  }
0x40: {  	s1 =	ssub.s32 @!p0 $0x0, s1;
	[sflag:s0] =	ssyncset.done @!p0 $0x0  }
0x41: {  	[sflag:s0] =	ssyncadd.s32 @!p0 s1  }
0x42: {  	[bflag:$0x3] =	sbarrier.arrive $0xFFFF  }
0x43: {  	_ =	shalt  }

// kernel: kernel.16.cloned.1.call-start
scs
__scs_entry_jumppad:
0x0: {  	(pc) =	sbr.rel $0x88, $3  }
0x1: {  	(tag) =	ssettag $0x0;
	lr =	simm.s32 $0x1  }
0x2: {  	[smem:$0x3F9C] =	sst lr;
	_ =	strace $0xD0000000  }
0x3: {  	_ = 	snop  }
0x4: {  	_ = 	snop  }
0x5: {  	_ = 	snop  }
0x6: {  	_ = 	snop  }
0x7: {  	_ = 	snop  }
__scs_overlays_trampoline_lowered:
0x8: {  	[smem:$0x3FAB] =	sst s0  }
0x9: {  	[smem:$0x3FAC] =	sst s1  }
0xa: {  	[smem:$0x3FAD] =	sst s2  }
0xb: {  	[smem:$0x3FAE] =	sst s3  }
0xc: {  	[smem:$0x3FAF] =	sst s4  }
0xd: {  	[smem:$0x3FB0] =	sst s5  }
0xe: {  	[smem:$0x3FB1] =	sst s6  }
0xf: {  	[smem:$0x3FB2] =	sst s7  }
0x10: {  	[smem:$0x3FB3] =	sst s8  }
0x11: {  	[smem:$0x3FB4] =	sst s9;
	s0 =	simm.s32 @!p0 $0x0  }
0x12: {  	s1 =	sld [smem:$0x3F9A];
	s0 =	simm.s32 @p0 $0x1  }
0x13: {  	[smem:$0x3FB5] =	sst s0;
	s0 =	simm.s32 @!p1 $0x0  }
0x14: {  	s2 =	sld [smem:$0x3F99];
	s0 =	simm.s32 @p1 $0x1  }
0x15: {  	[smem:$0x3FB6] =	sst s0;
	s0 =	simm.s32 @!p2 $0x0  }
0x16: {  	s3 =	sld [smem:$0x3FDB];
	s0 =	simm.s32 @p2 $0x1  }
0x17: {  	s4 =	simm.s32 $0x1BF5;
	[smem:$0x3FB8] =	sst s0  }
0x18: {  	s0 =	sld [smem:$0x3F9B];
	_ =	swait.ge [sflag:s4], $0x0  }
0x19: {  	s7 =	sld [smem:$0x3F9C]  }
0x1a: {  	s8 =	sadd.s32 $0xFFFFE003, lr  }
0x1b: {  	s9 =	sadd.s32 $0xFFFFFEF7, lr;
	s5 =	simm.s32 $0xFFFFFFFF;
	p2 =	slt.u32 s8, $0xFFFFF086  }
0x1c: {  	p1 =	slt.u32 s9, $0xF7A;
	s5 =	simm.s32 @!p2 $0x0  }
0x1d: {  	s5 =	simm.s32 @p1 $0x1;
	p0 =	seq.s32 s7, s2  }
0x1e: {  	s7 =	smul.u32 @!p0 $0xF7A, s2;
	p2 =	seq.s32 @!p0 s5, $0x0  }
0x1f: {  	s9 =	smul.u32 $0xF7A, s1;
	s8 =	simm.s32 @!p0 $0x1BF5;
	p2 =	por !p2, p0  }
0x20: {  	[sflag:s8] =	ssyncset.s32 @!p0 $0xFFFFF086;
	s6 =	sadd.s32 @!p0 s3, s7;
	s7 =	simm.s32 @!p0 $0x108  }
0x21: {  	s3 =	sadd.s32 s3, s9;
	s6 =	sadd.s32 @!p0 $0x88, s6;
	s7 =	simm.s32 @p2 $0x1082  }
0x22: {  	[simem:s7], [sflag:s8] =	dma.local @!p0 [hbm:s6], $0xF7A  }
0x23: {  	s9 =	sor.u32 $0xD0000000, s2;
	s6 =	simm.s32 $0x108;
	_ =	swait.ge @!p0 [sflag:s8], $0x0  }
0x24: {  	s3 =	sadd.s32 $0x88, s3;
	s6 =	simm.s32 @!p1 $0x1082;
	[sflag:s4] =	ssyncset.s32 $0xFFFFF086  }
0x25: {  	[simem:s6], [sflag:s4] =	dma.local [hbm:s3], $0xF7A  }
0x26: {  	[smem:$0x3F9C] =	sst s1;
	(tag) =	ssettag s2;
	_ =	strace s9  }
0x27: {  	s1 =	sld [smem:$0x3FAC]  }
0x28: {  	s2 =	sld [smem:$0x3FAD]  }
0x29: {  	s4 =	sld [smem:$0x3FAF]  }
0x2a: {  	p0 =	seq.s32 s5, $0x0;
	s5 =	sld [smem:$0x3FB0]  }
0x2b: {  	s6 =	sld [smem:$0x3FB1]  }
0x2c: {  	s7 =	sld [smem:$0x3FB2]  }
0x2d: {  	s3 =	simm.s32 $0x108;
	s8 =	sld [smem:$0x3FB3]  }
0x2e: {  	s3 =	simm.s32 @!p0 $0x1082;
	s9 =	sld [smem:$0x3FB4]  }
0x2f: {  	lr =	sadd.s32 s0, s3;
	s0 =	sld [smem:$0x3FAB]  }
0x30: {  	s3 =	sld [smem:$0x3FAE]  }
0x31: {  	[smem:$0x3FB7] =	sst s10  }
0x32: {  	s10 =	sld [smem:$0x3FB5];
	_ =	sdelay $0x3  }
0x33: {  	p0 =	seq.s32 s10, $0x1;
	s10 =	sld [smem:$0x3FB7];
	_ =	sdelay $0x3  }
0x34: {  	[smem:$0x3FB7] =	sst s10  }
0x35: {  	s10 =	sld [smem:$0x3FB6];
	_ =	sdelay $0x3  }
0x36: {  	p1 =	seq.s32 s10, $0x1;
	s10 =	sld [smem:$0x3FB7];
	_ =	sdelay $0x3  }
0x37: {  	[smem:$0x3FB7] =	sst s10  }
0x38: {  	s10 =	sld [smem:$0x3FB8]  }
0x39: {  	_ = 	snop;
	(pc) =	sbr.ind lr, $3  }
0x3a: {  	_ = 	snop  }
0x3b: {  	_ = 	snop  }
0x3c: {  	p2 =	seq.s32 s10, $0x1;
	s10 =	sld [smem:$0x3FB7]  }
0x3d: {  	_ =	shalt  }
0x3e: {  	_ =	shalt  }
0x3f: {  	_ =	shalt  }
0x40: {  	_ =	shalt  }
0x41: {  	_ =	shalt  }
0x42: {  	_ =	shalt  }
0x43: {  	_ =	shalt  }
0x44: {  	_ =	shalt  }
0x45: {  	_ =	shalt  }
0x46: {  	_ =	shalt  }
0x47: {  	_ =	shalt  }
0x48: {  	_ =	shalt  }
0x49: {  	_ =	shalt  }
0x4a: {  	_ =	shalt  }
0x4b: {  	_ =	shalt  }
0x4c: {  	_ =	shalt  }
0x4d: {  	_ =	shalt  }
0x4e: {  	_ =	shalt  }
0x4f: {  	_ =	shalt  }
0x50: {  	_ =	shalt  }
0x51: {  	_ =	shalt  }
0x52: {  	_ =	shalt  }
0x53: {  	_ =	shalt  }
0x54: {  	_ =	shalt  }
0x55: {  	_ =	shalt  }
0x56: {  	_ =	shalt  }
0x57: {  	_ =	shalt  }
0x58: {  	_ =	shalt  }
0x59: {  	_ =	shalt  }
0x5a: {  	_ =	shalt  }
0x5b: {  	_ =	shalt  }
0x5c: {  	_ =	shalt  }
0x5d: {  	_ =	shalt  }
0x5e: {  	_ =	shalt  }
0x5f: {  	_ =	shalt  }
0x60: {  	_ =	shalt  }
0x61: {  	_ =	shalt  }
0x62: {  	_ =	shalt  }
0x63: {  	_ =	shalt  }
0x64: {  	_ =	shalt  }
0x65: {  	_ =	shalt  }
0x66: {  	_ =	shalt  }
0x67: {  	_ =	shalt  }
0x68: {  	_ =	shalt  }
0x69: {  	_ =	shalt  }
0x6a: {  	_ =	shalt  }
0x6b: {  	_ =	shalt  }
0x6c: {  	_ =	shalt  }
0x6d: {  	_ =	shalt  }
0x6e: {  	_ =	shalt  }
0x6f: {  	_ =	shalt  }
0x70: {  	_ =	shalt  }
0x71: {  	_ =	shalt  }
0x72: {  	_ =	shalt  }
0x73: {  	_ =	shalt  }
0x74: {  	_ =	shalt  }
0x75: {  	_ =	shalt  }
0x76: {  	_ =	shalt  }
0x77: {  	_ =	shalt  }
0x78: {  	_ =	shalt  }
0x79: {  	_ =	shalt  }
0x7a: {  	_ =	shalt  }
0x7b: {  	_ =	shalt  }
0x7c: {  	_ =	shalt  }
0x7d: {  	_ =	shalt  }
0x7e: {  	_ =	shalt  }
0x7f: {  	_ =	shalt  }
0x80: {  	_ =	shalt  }
0x81: {  	_ =	shalt  }
0x82: {  	_ =	shalt  }
0x83: {  	_ =	shalt  }
0x84: {  	_ =	shalt  }
0x85: {  	_ =	shalt  }
0x86: {  	_ =	shalt  }
0x87: {  	_ =	shalt  }
.Lfunc_end0:
.L_simem_size_0:
called_computation.2_lowered:
.L_overlay_start_0:
0x88: {  	s2 =	sld [smem:$0x3FD9]  }
0x89: {  	s3 =	sld [smem:$0x3FFE];
	_ =	sdelay $0x1  }
0x8a: {  	s1 =	srdreg.scid  }
0x8b: {  	s0 =	sand.u32 $0x1, s1  }
0x8c: {  	s17 =	sshll.u32 s0, $0xA;
	s2 =	sadd.s32 s3, s2  }
0x8d: {  	s2 =	sadd.s32 s2, s17  }
0x8e: {  	[smem:$0x3FC3] =	sst s2  }
0x8f: {  	_ = 	snop  }
0x90: {  	s2 =	sld [smem:$0x3FD0];
	(tm) =	ssettm $0x1  }
0x91: {  	s18 =	sld [smem:$0x3FFB];
	_ =	sdelay $0x3  }
0x92: {  	_ =	strace s18  }
0x93: {  	s3 =	sld [smem:$0x3FFC];
	_ =	sdelay $0x3  }
0x94: {  	_ =	strace s3  }
0x95: {  	s3 =	sld [smem:$0x3FFD];
	_ =	sdelay $0x3  }
0x96: {  	_ =	strace s3  }
0x97: {  	_ =	strace $0x8FFFFFFF  }
0x98: {  	s19 =	sld [smem:$0x3FDB];
	_ =	sdelay $0x1  }
0x99: {  	s4 =	simm.s32 $_scs_section_size  }
0x9a: {  	s5 =	simm.s32 $_size__tile_overlayer_lowered;
	s6 =	simm.s32 $_tile_overlayer_lowered  }
0x9b: {  	s22 =	simm.s32 $0x1BFF;
	s21 =	sshll.u32 s6, $0x1;
	s3 =	sadd.s32 s4, s19  }
0x9c: {  	s7 =	simm.s32 $0x0;
	s20 =	sshll.u32 s5, $0x1;
	s5 =	sadd.s32 s21, s3  }
0x9d: {  	[timem:s7], [sflag:s22] =	dma.local [hbm:s5], s20  }
0x9e: {  	_ =	swait.ge [sflag:s22], s20  }
0x9f: {  	s4 =	ssub.s32 $0x0, s20;
	[sflag:s22] =	ssyncset.done $0x0  }
0xa0: {  	[sflag:s22] =	ssyncadd.s32 s4;
	_ =	sdelay $0x1  }
0xa1: {  	s23 =	simm.s32 $0x1B8B  }
0xa2: {  	_ =	swait.ge [sflag:s23], $0x1  }
0xa3: {  	[sflag:s23] =	ssyncset.done $0x0  }
0xa4: {  	s25 =	simm.s32 $0x1B8E;
	s24 =	sld [smem:$0x3FFE];
	[sflag:s23] =	ssyncadd.s32 $0xFFFFFFFF  }
0xa5: {  	s26 =	simm.s32 $execute0_lowered;
	[smem:$0x3FD2] =	sst s25  }
0xa6: {  	s5 =	sshll.u32 s26, $0x1;
	_ =	strace $0x80000046;
	[dreg:$0x1] =	wrdreg $0xFFFFFFFF  }
0xa7: {  	s28 =	simm.s32 $_size_execute0_lowered;
	s3 =	sadd.s32 s3, s5;
	[dreg:$0x0] =	wrdreg $0x0  }
0xa8: {  	s5 =	sshll.u32 s28, $0x1;
	[dreg:$0x2] =	wrdreg s3  }
0xa9: {  	[dreg:$0x3] =	wrdreg s5  }
0xaa: {  	[dreg:$0x4] =	wrdreg $0xC0  }
0xab: {  	_ =	task [dreg:s7], $0x5FFFF  }
0xac: {  	[dreg:$0x1] =	wrdreg $0xFFFFFFFF  }
0xad: {  	[dreg:$0x0] =	wrdreg $0x60  }
0xae: {  	[dreg:$0x2] =	wrdreg s2  }
0xaf: {  	[dreg:$0x3] =	wrdreg s24  }
0xb0: {  	[dreg:$0x4] =	wrdreg $0xA  }
0xb1: {  	_ =	task.clear_ibuf [dreg:s7], $0x5FFFF;
	_ =	strace $0x90000046  }
0xb2: {  	s29 =	simm.s32 $0xA;
	_ =	strace $0x80000048  }
0xb3: {  	_ =	swait.ge [sflag:s29], $0x1  }
0xb4: {  	[sflag:s29] =	ssyncadd.s32 $0xFFFFFFFF  }
0xb5: {  	_ =	strace $0x90000048  }
0xb6: {  	_ =	sfence  }
0xb7: {  	s30 =	sld [smem:$0x0];
	_ =	sdelay $0x2  }
0xb8: {  	s31 =	sshll.u32 s1, $0xD;
	s1 =	sshrl.u32 s1, $0x2  }
0xb9: {  	s3 =	sand.u32 $0x4000, s31;
	s1 =	sadd.s32 s1, s30  }
0xba: {  	s0 =	sor.u32 s3, s0;
	s1 =	sshll.u32 s1, $0x11  }
0xbb: {  	s0 =	sor.u32 s1, s0  }
0xbc: {  	s0 =	sadd.s32 $0x8F2B, s0  }
0xbd: {  	[sflag:s0] =	ssyncadd.remote.s32 $0x1  }
0xbe: {  	_ =	sfence.sel $0xFFFF  }
0xbf: {  	[dreg:$0x0] =	wrdreg $0xFFFFFFFF;
	(pc) =	sbr.abs _section_cstart, $3  }
0xc0: {  	[dreg:$0x1] =	wrdreg $0xFFFFFFFF  }
0xc1: {  	_ =	task.clear_ibuf [dreg:s7], $0x2FFFF;
	_ =	strace $0x9FFFFFFF  }
0xc2: {  	(tm) =	ssettm $0x7FFFFFFF  }
0xc3: {  	_ =	shalt  }
tec
execute0_lowered:
.L_overlay_start_1:
0x0: {  	(tag) =	ssettag $0x1  }
0x1: {  	s1 =	srdreg.scid;
	s2 =	rddreg [dreg:$0x0]  }
0x2: {  	s0 =	stileid.u32;
	s6 =	rddreg [dreg:$0x1];
	s13 =	simm.s32 $0x100  }
0x3: {  	s14 =	simm.s32 $0x4100;
	s15 =	simm.s32 $0x1;
	s16 =	simm.s32 $0x2  }
0x4: {  	s17 =	simm.s32 $0x0;
	s5 =	sand.u32 $0x1, s1;
	s4 =	smul.u32 $0x27, s0  }
0x5: {  	s1 =	rddreg [dreg:$0x2];
	s3 =	sshll.u32 s5, $0x4;
	s7 =	smul.u32 $0x270, s5  }
0x6: {  	s11 =	ssub.s32 $0x2, s5;
	s5 =	simm.s32 $0x28;
	s8 =	sor.u32 s0, s3  }
0x7: {  	s3 =	simm.s32 $0x0;
	s12 =	sshrl.u32 s11, $0x1;
	s9 =	smin.u32 s8, $0x2  }
0x8: {  	s4 =	sadd.s32 s4, s7;
	[smem:$0x7FF] =	sst s3;
	p0 =	slt.u32 s8, $0x2  }
0x9: {  	s31 =	ssub.s32 s11, s12;
	s11 =	simm.s32 $0x3;
	s12 =	simm.s32 $0x80  }
0xa: {  	s7 =	sadd.s32 s9, s4;
	_ =	strace $0x80000047;
	s4 =	sadd.s32 $0xB800, s6  }
0xb: {  	s9 =	sshll.u32 s7, $0x4;
	s10 =	sshll.u32 s7, $0xB;
	s7 =	sshll.u32 s7, $0xC  }
0xc: {  	s5 =	simm.s32 @!p0 $0x27;
	s9 =	sadd.s32 s9, s6;
	s7 =	sadd.s32 s7, s6  }
0xd: {  	s10 =	sadd.s32 s10, s6;
	s6 =	smax.u32 s31, $0x1;
	s7 =	sadd.s32 $0x59A00, s7  }
0xe: {  	s8 =	sadd.s32 $0x6800, s9;
	s9 =	sadd.s32 $0x1800, s9;
	s10 =	sadd.s32 $0x53BA00, s10  }
.LBB2_1:
0xf: {  	[tilespmem:s3], [sflag:$0x3] =	stream.linear.gather [hbm4b:s8+s3], $0x80, $0x38;
	[tilespmem:$0xC100] =	vst v63  }
0x10: {  	_ =	swait.ge [sflag:s11], $0x80  }
0x11: {  	[sflag:s11] =	ssyncset.done $0x0  }
0x12: {  	[sflag:s11] =	ssyncadd.s32 $0xFFFFFF80  }
0x13: {  	[tilespmem:s12], [sflag:$0x3] =	stream.linear.gather [hbm4b:s9+s3], $0x80, $0x38;
	[tilespmem:$0xC100] =	vst v63  }
0x14: {  	_ =	swait.ge [sflag:s11], $0x80  }
0x15: {  	[sflag:s11] =	ssyncset.done $0x0  }
0x16: {  	[sflag:s11] =	ssyncadd.s32 $0xFFFFFF80  }
0x17: {  	[tilespmem:s13], [sflag:$0x1] =	stream.indirect.gather [hbm4b:s2+s12], $0x80, s3, s12, $0xb8;
	[tilespmem:$0xC100] =	vst v63  }
0x18: {  	_ = 	snop  }
0x19: {  	[tilespmem:s14], [sflag:$0x2] =	stream.indirect.gather [hbm4b:s4+s12], $0x100, s12, s12, $0xb8;
	[tilespmem:$0xC100] =	vst v63  }
0x1a: {  	_ =	swait.ge [sflag:s15], $0x4000  }
0x1b: {  	[sflag:s15] =	ssyncset.done $0x0  }
0x1c: {  	[sflag:s15] =	ssyncadd.s32 $0xFFFFC000  }
0x1d: {  	_ =	swait.ge [sflag:s16], $0x8000  }
0x1e: {  	[sflag:s16] =	ssyncset.done $0x0  }
0x1f: {  	[sflag:s16] =	ssyncadd.s32 $0xFFFF8000  }
0x20: {  	[hbm4b:s10+s3] =	stream.linear.scatter [tilespmem:s13], [sflag:$0x3], $0x4000, $0x38;
	[tilespmem:$0xC100] =	vst v63  }
0x21: {  	p0 =	sne.s32 s5, $0x1;
	_ =	swait.ge [sflag:s11], $0x4000  }
.Ltmp0:
0x22: {  	[sflag:s11] =	ssyncset.done $0x0;
	(pc) =	sbr.rel @!p0 .LBB2_3-.Ltmp0, $4  }
0x23: {  	s18 =	sadd.s32 $0xFFFFFFFF, s5;
	[sflag:s11] =	ssyncadd.s32 $0xFFFFC000  }
0x24: {  	[hbm4b:s7+s3] =	stream.linear.scatter [tilespmem:s14], [sflag:$0x3], $0x8000, $0x38;
	[tilespmem:$0xC100] =	vst v63  }
0x25: {  	s19 =	sadd.s32 $0x10, s9;
	s20 =	sadd.s32 $0x800, s10;
	_ =	swait.ge [sflag:s11], $0x8000  }
0x26: {  	s21 =	smov.u32 s7;
	s22 =	smov.u32 s8;
	[sflag:s11] =	ssyncset.done $0x0  }
.LBB2_2:
0x27: {  	[sflag:s11] =	ssyncadd.s32 $0xFFFF8000;
	s21 =	sadd.s32 $0x1000, s21;
	s22 =	sadd.s32 $0x10, s22  }
0x28: {  	[tilespmem:s3], [sflag:$0x3] =	stream.linear.gather [hbm4b:s22+s3], $0x80, $0x38;
	[tilespmem:$0xC100] =	vst v63  }
0x29: {  	p0 =	sne.s32 s18, $0x1;
	s18 =	sadd.s32 $0xFFFFFFFF, s18;
	_ =	swait.ge [sflag:s11], $0x80  }
0x2a: {  	[sflag:s11] =	ssyncset.done $0x0  }
0x2b: {  	[sflag:s11] =	ssyncadd.s32 $0xFFFFFF80  }
0x2c: {  	[tilespmem:s12], [sflag:$0x3] =	stream.linear.gather [hbm4b:s19+s3], $0x80, $0x38;
	[tilespmem:$0xC100] =	vst v63  }
0x2d: {  	_ =	swait.ge [sflag:s11], $0x80  }
0x2e: {  	[sflag:s11] =	ssyncset.done $0x0  }
0x2f: {  	[sflag:s11] =	ssyncadd.s32 $0xFFFFFF80  }
0x30: {  	[tilespmem:s13], [sflag:$0x1] =	stream.indirect.gather [hbm4b:s2+s12], $0x80, s3, s12, $0xb8;
	[tilespmem:$0xC100] =	vst v63  }
0x31: {  	_ = 	snop  }
0x32: {  	[tilespmem:s14], [sflag:$0x2] =	stream.indirect.gather [hbm4b:s4+s12], $0x100, s12, s12, $0xb8;
	[tilespmem:$0xC100] =	vst v63  }
0x33: {  	_ =	swait.ge [sflag:s15], $0x4000  }
0x34: {  	[sflag:s15] =	ssyncset.done $0x0  }
0x35: {  	[sflag:s15] =	ssyncadd.s32 $0xFFFFC000  }
0x36: {  	_ =	swait.ge [sflag:s16], $0x8000  }
0x37: {  	[sflag:s16] =	ssyncset.done $0x0  }
0x38: {  	[sflag:s16] =	ssyncadd.s32 $0xFFFF8000  }
0x39: {  	[hbm4b:s20+s3] =	stream.linear.scatter [tilespmem:s13], [sflag:$0x3], $0x4000, $0x38;
	[tilespmem:$0xC100] =	vst v63  }
0x3a: {  	_ =	swait.ge [sflag:s11], $0x4000  }
.Ltmp1:
0x3b: {  	[sflag:s11] =	ssyncset.done $0x0;
	(pc) =	sbr.rel @p0 .LBB2_2-.Ltmp1, $4  }
0x3c: {  	[sflag:s11] =	ssyncadd.s32 $0xFFFFC000  }
0x3d: {  	[hbm4b:s21+s3] =	stream.linear.scatter [tilespmem:s14], [sflag:$0x3], $0x8000, $0x38;
	[tilespmem:$0xC100] =	vst v63  }
0x3e: {  	_ =	swait.ge [sflag:s11], $0x8000  }
0x3f: {  	s19 =	sadd.s32 $0x10, s19;
	s20 =	sadd.s32 $0x800, s20;
	[sflag:s11] =	ssyncset.done $0x0  }
.LBB2_3:
0x40: {  	s17 =	sadd.s32 $0x1, s17  }
0x41: {  	p0 =	sne.s32 s17, s6  }
.Ltmp2:
0x42: {  	_ = 	snop;
	(pc) =	sbr.rel @p0 .LBB2_1-.Ltmp2, $2  }
0x43: {  	_ =	sdelay $0x2  }
0x44: {  	[sflag:s11] =	ssyncadd.s32 $0xFFFF8000  }
0x45: {  	_ =	sfence.sel $0x180000  }
0x46: {  	[bflag:$0x0] =	sbarrier.arrive $0xFFFF  }
0x47: {  	p0 =	sne.s32 s0, $0x0;
	_ =	strace $0x90000047  }
0x48: {  	s0 =	sadd.s32 @!p0 $0x100000, s1;
	[bflag:$0x2] =	sbarrier.arrive $0xFFFF  }
0x49: {  	[sflag:s0] =	ssyncadd.tile.s32 @!p0 $0x1;
	_ =	shalt  }
.Lfunc_end2:
_tile_overlayer_lowered:
.L_overlay_start_2:
0x4a: {  	(tag) =	ssettag $0x2  }
0x4b: {  	s0 =	rddreg [dreg:$0x0];
	s2 =	stileid.u32  }
0x4c: {  	s1 =	rddreg [dreg:$0x1];
	p0 =	sne.s32 s2, $0x0  }
0x4d: {  	s3 =	rddreg [dreg:$0x2];
	[bflag:$0x3] =	sbarrier.arrive $0xFFFF;
	s2 =	simm.s32 @!p0 $0x1C03  }
0x4e: {  	[timem:s3], [sflag:s2] =	dma.local @!p0 [hbm:s0], s1  }
0x4f: {  	s0 =	simm.s32 @!p0 $0x3  }
0x50: {  	_ =	swait.ge @!p0 [sflag:s0], s1  }
0x51: {  	s1 =	ssub.s32 @!p0 $0x0, s1;
	[sflag:s0] =	ssyncset.done @!p0 $0x0  }
0x52: {  	[sflag:s0] =	ssyncadd.s32 @!p0 s1  }
0x53: {  	[bflag:$0x3] =	sbarrier.arrive $0xFFFF  }
0x54: {  	_ =	shalt  }

// kernel: kernel.19.cloned.1.call-start
scs
__scs_entry_jumppad:
0x0: {  	(pc) =	sbr.rel $0x88, $3  }
0x1: {  	(tag) =	ssettag $0x0;
	lr =	simm.s32 $0x1  }
0x2: {  	[smem:$0x3F9C] =	sst lr;
	_ =	strace $0xD0000000  }
0x3: {  	_ = 	snop  }
0x4: {  	_ = 	snop  }
0x5: {  	_ = 	snop  }
0x6: {  	_ = 	snop  }
0x7: {  	_ = 	snop  }
__scs_overlays_trampoline_lowered:
0x8: {  	[smem:$0x3FAB] =	sst s0  }
0x9: {  	[smem:$0x3FAC] =	sst s1  }
0xa: {  	[smem:$0x3FAD] =	sst s2  }
0xb: {  	[smem:$0x3FAE] =	sst s3  }
0xc: {  	[smem:$0x3FAF] =	sst s4  }
0xd: {  	[smem:$0x3FB0] =	sst s5  }
0xe: {  	[smem:$0x3FB1] =	sst s6  }
0xf: {  	[smem:$0x3FB2] =	sst s7  }
0x10: {  	[smem:$0x3FB3] =	sst s8  }
0x11: {  	[smem:$0x3FB4] =	sst s9;
	s0 =	simm.s32 @!p0 $0x0  }
0x12: {  	s1 =	sld [smem:$0x3F9A];
	s0 =	simm.s32 @p0 $0x1  }
0x13: {  	[smem:$0x3FB5] =	sst s0;
	s0 =	simm.s32 @!p1 $0x0  }
0x14: {  	s2 =	sld [smem:$0x3F99];
	s0 =	simm.s32 @p1 $0x1  }
0x15: {  	[smem:$0x3FB6] =	sst s0;
	s0 =	simm.s32 @!p2 $0x0  }
0x16: {  	s3 =	sld [smem:$0x3FDB];
	s0 =	simm.s32 @p2 $0x1  }
0x17: {  	s4 =	simm.s32 $0x1BF5;
	[smem:$0x3FB8] =	sst s0  }
0x18: {  	s0 =	sld [smem:$0x3F9B];
	_ =	swait.ge [sflag:s4], $0x0  }
0x19: {  	s7 =	sld [smem:$0x3F9C]  }
0x1a: {  	s8 =	sadd.s32 $0xFFFFE003, lr  }
0x1b: {  	s9 =	sadd.s32 $0xFFFFFEF7, lr;
	s5 =	simm.s32 $0xFFFFFFFF;
	p2 =	slt.u32 s8, $0xFFFFF086  }
0x1c: {  	p1 =	slt.u32 s9, $0xF7A;
	s5 =	simm.s32 @!p2 $0x0  }
0x1d: {  	s5 =	simm.s32 @p1 $0x1;
	p0 =	seq.s32 s7, s2  }
0x1e: {  	s7 =	smul.u32 @!p0 $0xF7A, s2;
	p2 =	seq.s32 @!p0 s5, $0x0  }
0x1f: {  	s9 =	smul.u32 $0xF7A, s1;
	s8 =	simm.s32 @!p0 $0x1BF5;
	p2 =	por !p2, p0  }
0x20: {  	[sflag:s8] =	ssyncset.s32 @!p0 $0xFFFFF086;
	s6 =	sadd.s32 @!p0 s3, s7;
	s7 =	simm.s32 @!p0 $0x108  }
0x21: {  	s3 =	sadd.s32 s3, s9;
	s6 =	sadd.s32 @!p0 $0x88, s6;
	s7 =	simm.s32 @p2 $0x1082  }
0x22: {  	[simem:s7], [sflag:s8] =	dma.local @!p0 [hbm:s6], $0xF7A  }
0x23: {  	s9 =	sor.u32 $0xD0000000, s2;
	s6 =	simm.s32 $0x108;
	_ =	swait.ge @!p0 [sflag:s8], $0x0  }
0x24: {  	s3 =	sadd.s32 $0x88, s3;
	s6 =	simm.s32 @!p1 $0x1082;
	[sflag:s4] =	ssyncset.s32 $0xFFFFF086  }
0x25: {  	[simem:s6], [sflag:s4] =	dma.local [hbm:s3], $0xF7A  }
0x26: {  	[smem:$0x3F9C] =	sst s1;
	(tag) =	ssettag s2;
	_ =	strace s9  }
0x27: {  	s1 =	sld [smem:$0x3FAC]  }
0x28: {  	s2 =	sld [smem:$0x3FAD]  }
0x29: {  	s4 =	sld [smem:$0x3FAF]  }
0x2a: {  	p0 =	seq.s32 s5, $0x0;
	s5 =	sld [smem:$0x3FB0]  }
0x2b: {  	s6 =	sld [smem:$0x3FB1]  }
0x2c: {  	s7 =	sld [smem:$0x3FB2]  }
0x2d: {  	s3 =	simm.s32 $0x108;
	s8 =	sld [smem:$0x3FB3]  }
0x2e: {  	s3 =	simm.s32 @!p0 $0x1082;
	s9 =	sld [smem:$0x3FB4]  }
0x2f: {  	lr =	sadd.s32 s0, s3;
	s0 =	sld [smem:$0x3FAB]  }
0x30: {  	s3 =	sld [smem:$0x3FAE]  }
0x31: {  	[smem:$0x3FB7] =	sst s10  }
0x32: {  	s10 =	sld [smem:$0x3FB5];
	_ =	sdelay $0x3  }
0x33: {  	p0 =	seq.s32 s10, $0x1;
	s10 =	sld [smem:$0x3FB7];
	_ =	sdelay $0x3  }
0x34: {  	[smem:$0x3FB7] =	sst s10  }
0x35: {  	s10 =	sld [smem:$0x3FB6];
	_ =	sdelay $0x3  }
0x36: {  	p1 =	seq.s32 s10, $0x1;
	s10 =	sld [smem:$0x3FB7];
	_ =	sdelay $0x3  }
0x37: {  	[smem:$0x3FB7] =	sst s10  }
0x38: {  	s10 =	sld [smem:$0x3FB8]  }
0x39: {  	_ = 	snop;
	(pc) =	sbr.ind lr, $3  }
0x3a: {  	_ = 	snop  }
0x3b: {  	_ = 	snop  }
0x3c: {  	p2 =	seq.s32 s10, $0x1;
	s10 =	sld [smem:$0x3FB7]  }
0x3d: {  	_ =	shalt  }
0x3e: {  	_ =	shalt  }
0x3f: {  	_ =	shalt  }
0x40: {  	_ =	shalt  }
0x41: {  	_ =	shalt  }
0x42: {  	_ =	shalt  }
0x43: {  	_ =	shalt  }
0x44: {  	_ =	shalt  }
0x45: {  	_ =	shalt  }
0x46: {  	_ =	shalt  }
0x47: {  	_ =	shalt  }
0x48: {  	_ =	shalt  }
0x49: {  	_ =	shalt  }
0x4a: {  	_ =	shalt  }
0x4b: {  	_ =	shalt  }
0x4c: {  	_ =	shalt  }
0x4d: {  	_ =	shalt  }
0x4e: {  	_ =	shalt  }
0x4f: {  	_ =	shalt  }
0x50: {  	_ =	shalt  }
0x51: {  	_ =	shalt  }
0x52: {  	_ =	shalt  }
0x53: {  	_ =	shalt  }
0x54: {  	_ =	shalt  }
0x55: {  	_ =	shalt  }
0x56: {  	_ =	shalt  }
0x57: {  	_ =	shalt  }
0x58: {  	_ =	shalt  }
0x59: {  	_ =	shalt  }
0x5a: {  	_ =	shalt  }
0x5b: {  	_ =	shalt  }
0x5c: {  	_ =	shalt  }
0x5d: {  	_ =	shalt  }
0x5e: {  	_ =	shalt  }
0x5f: {  	_ =	shalt  }
0x60: {  	_ =	shalt  }
0x61: {  	_ =	shalt  }
0x62: {  	_ =	shalt  }
0x63: {  	_ =	shalt  }
0x64: {  	_ =	shalt  }
0x65: {  	_ =	shalt  }
0x66: {  	_ =	shalt  }
0x67: {  	_ =	shalt  }
0x68: {  	_ =	shalt  }
0x69: {  	_ =	shalt  }
0x6a: {  	_ =	shalt  }
0x6b: {  	_ =	shalt  }
0x6c: {  	_ =	shalt  }
0x6d: {  	_ =	shalt  }
0x6e: {  	_ =	shalt  }
0x6f: {  	_ =	shalt  }
0x70: {  	_ =	shalt  }
0x71: {  	_ =	shalt  }
0x72: {  	_ =	shalt  }
0x73: {  	_ =	shalt  }
0x74: {  	_ =	shalt  }
0x75: {  	_ =	shalt  }
0x76: {  	_ =	shalt  }
0x77: {  	_ =	shalt  }
0x78: {  	_ =	shalt  }
0x79: {  	_ =	shalt  }
0x7a: {  	_ =	shalt  }
0x7b: {  	_ =	shalt  }
0x7c: {  	_ =	shalt  }
0x7d: {  	_ =	shalt  }
0x7e: {  	_ =	shalt  }
0x7f: {  	_ =	shalt  }
0x80: {  	_ =	shalt  }
0x81: {  	_ =	shalt  }
0x82: {  	_ =	shalt  }
0x83: {  	_ =	shalt  }
0x84: {  	_ =	shalt  }
0x85: {  	_ =	shalt  }
0x86: {  	_ =	shalt  }
0x87: {  	_ =	shalt  }
.Lfunc_end0:
.L_simem_size_0:
called_computation.3_lowered:
.L_overlay_start_0:
0x88: {  	s2 =	sld [smem:$0x3FD9]  }
0x89: {  	s3 =	sld [smem:$0x3FFE];
	_ =	sdelay $0x1  }
0x8a: {  	s1 =	srdreg.scid  }
0x8b: {  	s0 =	sand.u32 $0x1, s1  }
0x8c: {  	s17 =	sshll.u32 s0, $0xA;
	s2 =	sadd.s32 s3, s2  }
0x8d: {  	s2 =	sadd.s32 s2, s17  }
0x8e: {  	[smem:$0x3FC3] =	sst s2  }
0x8f: {  	_ = 	snop  }
0x90: {  	(tm) =	ssettm $0x1  }
0x91: {  	s18 =	sld [smem:$0x3FFB];
	_ =	sdelay $0x3  }
0x92: {  	_ =	strace s18  }
0x93: {  	s2 =	sld [smem:$0x3FFC];
	_ =	sdelay $0x3  }
0x94: {  	_ =	strace s2  }
0x95: {  	s2 =	sld [smem:$0x3FFD];
	_ =	sdelay $0x3  }
0x96: {  	_ =	strace s2  }
0x97: {  	_ =	strace $0x8FFFFFFF  }
0x98: {  	s19 =	sld [smem:$0x3FDB];
	_ =	sdelay $0x1  }
0x99: {  	s20 =	simm.s32 $_scs_section_size  }
0x9a: {  	s4 =	simm.s32 $_size__tile_overlayer_lowered;
	s5 =	simm.s32 $_tile_overlayer_lowered  }
0x9b: {  	s6 =	simm.s32 $0x1BFF;
	s21 =	sshll.u32 s5, $0x1;
	s3 =	sadd.s32 s20, s19  }
0x9c: {  	s22 =	simm.s32 $0x0;
	s4 =	sshll.u32 s4, $0x1;
	s5 =	sadd.s32 s21, s3  }
0x9d: {  	[timem:s22], [sflag:s6] =	dma.local [hbm:s5], s4  }
0x9e: {  	_ =	swait.ge [sflag:s6], s4  }
0x9f: {  	s4 =	ssub.s32 $0x0, s4;
	[sflag:s6] =	ssyncset.done $0x0  }
0xa0: {  	[sflag:s6] =	ssyncadd.s32 s4;
	_ =	sdelay $0x1  }
0xa1: {  	s23 =	simm.s32 $0x1B8B  }
0xa2: {  	_ =	swait.ge [sflag:s23], $0x1  }
0xa3: {  	[sflag:s23] =	ssyncset.done $0x0  }
0xa4: {  	[sflag:s23] =	ssyncadd.s32 $0xFFFFFFFF  }
0xa5: {  	s4 =	sld [smem:$0x0]  }
0xa6: {  	s5 =	sand.u32 $0xFFFFFFFE, s1  }
0xa7: {  	p0 =	sne.s32 s1, s5  }
0xa8: {  	s5 =	sshll.u32 @p0 s5, $0xE  }
0xa9: {  	s5 =	sadd.s32 @p0 $0x11B8D, s5;
	s6 =	sshll.u32 @p0 s4, $0x11  }
0xaa: {  	s5 =	sor.u32 @p0 s6, s5  }
0xab: {  	[sflag:s5] =	ssyncadd.remote.s32 @p0 $0x1;
	_ =	sdelay $0x1  }
0xac: {  	s5 =	simm.s32 @p0 $0x1B8D  }
0xad: {  	_ =	swait.eq @p0 [sflag:s5], $0x1  }
0xae: {  	[sflag:s5] =	ssyncadd.s32 @p0 $0xFFFFFFFF  }
0xaf: {  	s6 =	sshll.u32 @!p0 s1, $0xE  }
0xb0: {  	s6 =	sor.u32 @!p0 $0x4000, s6;
	s5 =	simm.s32 @!p0 $0x1B8D  }
0xb1: {  	s4 =	sshll.u32 @!p0 s4, $0x11;
	s6 =	sadd.s32 @!p0 $0x11B8D, s6;
	_ =	swait.eq @!p0 [sflag:s5], $0x1  }
0xb2: {  	s4 =	sor.u32 @!p0 s4, s6;
	[sflag:s5] =	ssyncadd.s32 @!p0 $0xFFFFFFFF  }
0xb3: {  	s25 =	simm.s32 $0x1B8E;
	s24 =	sld [smem:$0x3FFE];
	[sflag:s4] =	ssyncadd.remote.s32 @!p0 $0x1  }
0xb4: {  	s26 =	simm.s32 $execute0_lowered;
	[smem:$0x3FD2] =	sst s25  }
0xb5: {  	s5 =	sshll.u32 s26, $0x1;
	_ =	strace $0x8000004C;
	[dreg:$0x1] =	wrdreg $0xFFFFFFFF  }
0xb6: {  	s28 =	simm.s32 $_size_execute0_lowered;
	s3 =	sadd.s32 s3, s5;
	[dreg:$0x0] =	wrdreg $0x0  }
0xb7: {  	s5 =	sshll.u32 s28, $0x1;
	[dreg:$0x2] =	wrdreg s3  }
0xb8: {  	[dreg:$0x3] =	wrdreg s5  }
0xb9: {  	[dreg:$0x4] =	wrdreg $0xC0  }
0xba: {  	_ =	task [dreg:s22], $0x5FFFF  }
0xbb: {  	[dreg:$0x1] =	wrdreg $0xFFFFFFFF  }
0xbc: {  	[dreg:$0x0] =	wrdreg $0x60  }
0xbd: {  	[dreg:$0x2] =	wrdreg s24  }
0xbe: {  	[dreg:$0x3] =	wrdreg $0x48800  }
0xbf: {  	[dreg:$0x4] =	wrdreg $0xA  }
0xc0: {  	_ =	task.clear_ibuf [dreg:s22], $0x5FFFF;
	_ =	strace $0x9000004C  }
0xc1: {  	s29 =	simm.s32 $0xA;
	_ =	strace $0x8000004E  }
0xc2: {  	_ =	swait.ge [sflag:s29], $0x1  }
0xc3: {  	[sflag:s29] =	ssyncadd.s32 $0xFFFFFFFF  }
0xc4: {  	_ =	strace $0x9000004E  }
0xc5: {  	_ =	sfence  }
0xc6: {  	s30 =	sld [smem:$0x0];
	_ =	sdelay $0x2  }
0xc7: {  	s31 =	sshll.u32 s1, $0xD;
	s1 =	sshrl.u32 s1, $0x2  }
0xc8: {  	s4 =	sand.u32 $0x4000, s31;
	s1 =	sadd.s32 s1, s30  }
0xc9: {  	s0 =	sor.u32 s4, s0;
	s1 =	sshll.u32 s1, $0x11  }
0xca: {  	s0 =	sor.u32 s1, s0  }
0xcb: {  	s0 =	sadd.s32 $0x8F2B, s0  }
0xcc: {  	[sflag:s0] =	ssyncadd.remote.s32 $0x1  }
0xcd: {  	_ =	sfence.sel $0xFFFF  }
0xce: {  	[dreg:$0x0] =	wrdreg $0xFFFFFFFF;
	(pc) =	sbr.abs _section_cstart, $3  }
0xcf: {  	[dreg:$0x1] =	wrdreg $0xFFFFFFFF  }
0xd0: {  	_ =	task.clear_ibuf [dreg:s22], $0x2FFFF;
	_ =	strace $0x9FFFFFFF  }
0xd1: {  	(tm) =	ssettm $0x7FFFFFFF  }
tec
execute0_lowered:
.L_overlay_start_1:
0x0: {  	(tag) =	ssettag $0x1  }
0x1: {  	s0 =	srdreg.scid  }
0x2: {  	s6 =	stileid.u32;
	s2 =	simm.s32 $0x1;
	s5 =	rddreg [dreg:$0x0]  }
0x3: {  	s3 =	simm.s32 $0x1;
	s14 =	simm.s32 $0x0;
	s1 =	smul.u32 $0x27, s6  }
0x4: {  	s4 =	sand.u32 $0x1, s0;
	p0 =	sne.s32 s6, $0x0;
	s9 =	smul.u32 $0x16800, s6  }
0x5: {  	s31 =	sshll.u32 s6, $0x6;
	p1 =	seq.s32 s6, $0x0;
	s0 =	smul.u32 $0x271, s4  }
0x6: {  	s6 =	simm.s32 $0x28;
	s2 =	simm.s32 @!p0 $0x0;
	s10 =	smul.u32 $0x168000, s4  }
0x7: {  	s4 =	ssub.s32 $0x2, s4;
	s6 =	simm.s32 @!p1 $0x27;
	s29 =	sshrl.u32 s9, $0x3  }
0x8: {  	s30 =	sshrl.u32 s4, $0x1;
	s0 =	sadd.s32 s1, s0;
	s1 =	rddreg [dreg:$0x1]  }
0x9: {  	s28 =	sadd.s32 s9, s10;
	s10 =	ssub.s32 s4, s30;
	s7 =	sadd.s32 s2, s0  }
0xa: {  	s0 =	rddreg [dreg:$0x2];
	s2 =	simm.s32 $0x0;
	s13 =	sadd.s32 s9, s1  }
0xb: {  	s8 =	smul.u32 $0x900, s7;
	[smem:$0x7FF] =	sst s2;
	s7 =	sshll.u32 s7, $0x4  }
0xc: {  	_ =	strace $0x8000004D;
	s12 =	sadd.s32 s7, s5;
	s7 =	sshrl.u32 s28, $0x3  }
0xd: {  	s11 =	sadd.s32 s8, s5;
	s8 =	sadd.s32 s29, s5;
	s7 =	sadd.s32 s7, s5  }
0xe: {  	s5 =	sor.u32 $0x1C02, s31;
	s4 =	sadd.s32 $0x59A00, s8;
	s7 =	sadd.s32 $0x86A00, s7  }
0xf: {  	s8 =	smax.u32 s10, $0x1;
	s9 =	sadd.s32 $0xF09C00, s11;
	s10 =	sadd.s32 $0x6800, s12  }
0x10: {  	s11 =	sshrl.u32 s13, $0x3;
	s12 =	simm.s32 $0x2;
	s13 =	simm.s32 $0x80  }
.LBB2_1:
0x11: {  	[spmem:s11], [sflag:s5] =	dma.local [hbm:s4], $0x2D00  }
0x12: {  	_ =	swait.ge [sflag:s12], $0x2D00  }
0x13: {  	[sflag:s12] =	ssyncset.done $0x0  }
0x14: {  	[sflag:s12] =	ssyncadd.s32 $0xFFFFD300  }
0x15: {  	[bflag:$0x0] =	sbarrier.arrive $0xFFFF  }
0x16: {  	[tilespmem:s2], [sflag:$0x2] =	stream.linear.gather [hbm4b:s10+s2], $0x80, $0x38;
	[tilespmem:$0x1B080] =	vst v63  }
0x17: {  	_ =	swait.ge [sflag:s12], $0x80  }
0x18: {  	[sflag:s12] =	ssyncset.done $0x0  }
0x19: {  	[sflag:s12] =	ssyncadd.s32 $0xFFFFFF80  }
0x1a: {  	[tilespmem:s13], [sflag:$0x1] =	stream.linear.gather [hbm4b:s9+s2], $0x4800, $0x38;
	[tilespmem:$0x1B080] =	vst v63  }
0x1b: {  	p1 =	sne.s32 s6, $0x1;
	_ =	swait.ge [sflag:s3], $0x4800  }
.Ltmp0:
0x1c: {  	[sflag:s3] =	ssyncset.done $0x0;
	(pc) =	sbr.rel @!p1 .LBB2_3-.Ltmp0, $4  }
0x1d: {  	[sflag:s3] =	ssyncadd.s32 $0xFFFFB800  }
0x1e: {  	[spmem:s1] =	stream.indirect.scatter.add.f32 [tilespmem:s13], [sflag:$0x2], $0x90, s2, s13, $0xb8;
	[tilespmem:$0x1B080] =	vst v63  }
0x1f: {  	s15 =	sadd.s32 $0xFFFFFFFF, s6;
	_ =	swait.ge [sflag:s12], $0x4800  }
0x20: {  	s16 =	smov.u32 s9;
	s17 =	smov.u32 s10;
	[sflag:s12] =	ssyncset.done $0x0  }
.LBB2_2:
0x21: {  	[sflag:s12] =	ssyncadd.s32 $0xFFFFB800;
	s16 =	sadd.s32 $0x900, s16;
	s17 =	sadd.s32 $0x10, s17  }
0x22: {  	[tilespmem:s2], [sflag:$0x2] =	stream.linear.gather [hbm4b:s17+s2], $0x80, $0x38;
	[tilespmem:$0x1B080] =	vst v63  }
0x23: {  	p1 =	sne.s32 s15, $0x1;
	s15 =	sadd.s32 $0xFFFFFFFF, s15;
	_ =	swait.ge [sflag:s12], $0x80  }
0x24: {  	[sflag:s12] =	ssyncset.done $0x0  }
0x25: {  	[sflag:s12] =	ssyncadd.s32 $0xFFFFFF80  }
0x26: {  	[tilespmem:s13], [sflag:$0x1] =	stream.linear.gather [hbm4b:s16+s2], $0x4800, $0x38;
	[tilespmem:$0x1B080] =	vst v63  }
0x27: {  	_ =	swait.ge [sflag:s3], $0x4800  }
.Ltmp1:
0x28: {  	[sflag:s3] =	ssyncset.done $0x0;
	(pc) =	sbr.rel @p1 .LBB2_2-.Ltmp1, $4  }
0x29: {  	[sflag:s3] =	ssyncadd.s32 $0xFFFFB800  }
0x2a: {  	[spmem:s1] =	stream.indirect.scatter.add.f32 [tilespmem:s13], [sflag:$0x2], $0x90, s2, s13, $0xb8;
	[tilespmem:$0x1B080] =	vst v63  }
0x2b: {  	_ =	swait.ge [sflag:s12], $0x4800  }
0x2c: {  	[sflag:s12] =	ssyncset.done $0x0  }
.LBB2_3:
0x2d: {  	s14 =	sadd.s32 $0x1, s14  }
0x2e: {  	[sflag:s12] =	ssyncadd.s32 $0xFFFFB800;
	p1 =	sne.s32 s14, s8  }
.Ltmp2:
0x2f: {  	[bflag:$0x0] =	sbarrier.arrive $0xFFFF;
	(pc) =	sbr.rel @p1 .LBB2_1-.Ltmp2, $4  }
0x30: {  	[hbm:s7], [sflag:s5] =	dma.local [spmem:s11], $0x2D00  }
0x31: {  	_ =	swait.ge [sflag:s12], $0x2D00  }
0x32: {  	[sflag:s12] =	ssyncset.done $0x0  }
0x33: {  	[sflag:s12] =	ssyncadd.s32 $0xFFFFD300  }
0x34: {  	_ =	sfence.sel $0x180000  }
0x35: {  	[bflag:$0x0] =	sbarrier.arrive $0xFFFF  }
0x36: {  	_ =	strace $0x9000004D  }
0x37: {  	s0 =	sadd.s32 @!p0 $0x100000, s0;
	[bflag:$0x2] =	sbarrier.arrive $0xFFFF  }
0x38: {  	[sflag:s0] =	ssyncadd.tile.s32 @!p0 $0x1;
	_ =	shalt  }
.Lfunc_end2:
_tile_overlayer_lowered:
.L_overlay_start_2:
0x39: {  	(tag) =	ssettag $0x2  }
0x3a: {  	s0 =	rddreg [dreg:$0x0];
	s2 =	stileid.u32  }
0x3b: {  	s1 =	rddreg [dreg:$0x1];
	p0 =	sne.s32 s2, $0x0  }
0x3c: {  	s3 =	rddreg [dreg:$0x2];
	[bflag:$0x3] =	sbarrier.arrive $0xFFFF;
	s2 =	simm.s32 @!p0 $0x1C02  }
0x3d: {  	[timem:s3], [sflag:s2] =	dma.local @!p0 [hbm:s0], s1  }
0x3e: {  	s0 =	simm.s32 @!p0 $0x2  }
0x3f: {  	_ =	swait.ge @!p0 [sflag:s0], s1  }
0x40: {  	s1 =	ssub.s32 @!p0 $0x0, s1;
	[sflag:s0] =	ssyncset.done @!p0 $0x0  }
0x41: {  	[sflag:s0] =	ssyncadd.s32 @!p0 s1  }
0x42: {  	[bflag:$0x3] =	sbarrier.arrive $0xFFFF  }
0x43: {  	_ =	shalt  }

</sc_bundles>
